<compile_context>
chip_gen: v7x
topology: tpu7x:2x2x1
jax: 0.10.2.dev20260603
libtpu: 0.0.44.dev20260713+nightly
codegen_flags: <defaults>
</compile_context>

<pallas_src>
import functools
import math

import jax
import jax.numpy as jnp
from jax import lax
from jax.experimental import pallas as pl
from jax.experimental.pallas import tpu as pltpu
from jax.experimental.pallas import tpu_sc as plsc

_CBLK = 16384


def _tc_pack_table(table):
    v, d = table.shape
    tt = jnp.transpose(table)
    grid = -(-v // _CBLK)
    half = _CBLK // 2

    def body(in_ref, out_ref):
        t = jnp.transpose(in_ref[...])
        out_ref[...] = jnp.concatenate([t[:half], t[half:]], axis=1)

    return pl.pallas_call(
        body,
        grid=(grid,),
        in_specs=[pl.BlockSpec((d, _CBLK), lambda j: (0, j))],
        out_specs=pl.BlockSpec((half, 2 * d), lambda j: (j, 0)),
        out_shape=jax.ShapeDtypeStruct((grid * half, 2 * d), jnp.float32),
    )(tt)


def _tc_retile_out(flat, n_l, n_b, d, scale):
    inv = flat.reshape(n_l, n_b // 128, d, 128)
    nbb = n_b // 128
    bbq = 8

    def body(in_ref, out_ref):
        x = in_ref[0]
        cc = lax.broadcasted_iota(jnp.int32, (d, 2 * d), 1)
        pp = lax.broadcasted_iota(jnp.int32, (d, 2 * d), 0)
        s0 = (cc == 2 * pp).astype(jnp.bfloat16)
        s1 = (cc == 2 * pp + 1).astype(jnp.bfloat16)
        dn = (((1,), (0,)), ((), ()))
        xb = x.astype(jnp.bfloat16)
        y = lax.dot_general(
            xb[:, :, :d], s0, dn, preferred_element_type=jnp.float32
        ) + lax.dot_general(
            xb[:, :, d:], s1, dn, preferred_element_type=jnp.float32
        )
        y = y * scale
        for kk in range(d // 8):
            out_ref[0, kk] = y[:, kk * 8 : kk * 8 + 8, :]

    return pl.pallas_call(
        body,
        grid=(n_l, nbb // bbq),
        in_specs=[pl.BlockSpec((1, bbq, d, 128), lambda l, q: (l, q, 0, 0))],
        out_specs=pl.BlockSpec(
            (1, d // 8, bbq, 8, 128), lambda l, q: (l, 0, q, 0, 0)
        ),
        out_shape=jax.ShapeDtypeStruct((n_l, d // 8, nbb, 8, 128), jnp.float32),
    )(inv)


def _make_embed_kernel(n_total, d_model, n_per_w, chunk, num_cores):
    n_chunks = n_per_w // chunk
    n_outer = n_chunks // 2
    mesh = plsc.VectorSubcoreMesh(core_axis_name="c", subcore_axis_name="s")

    scratch = (
        [pltpu.VMEM((chunk,), jnp.int32) for _ in range(2)]
        + [pltpu.VMEM((chunk, d_model), jnp.float32) for _ in range(2)]
        + [pltpu.SemaphoreType.DMA for _ in range(4)]
    )

    @functools.partial(
        pl.kernel,
        mesh=mesh,
        out_type=jax.ShapeDtypeStruct((n_total, d_model), jnp.float32),
        compiler_params=pltpu.CompilerParams(use_tc_tiling_on_sc=False),
        scratch_types=scratch,
    )
    def k(idx_hbm, table_hbm, out_hbm, *rest):
        idxb = rest[0:2]
        rows = rest[2:4]
        isem = rest[4:6]
        gsem = rest[6:8]
        wid = lax.axis_index("s") * num_cores + lax.axis_index("c")
        base = wid * n_per_w

        def i_start(c, b):
            pltpu.make_async_copy(
                idx_hbm.at[pl.ds(base + c * chunk, chunk)], idxb[b], isem[b]
            ).start()

        def i_wait(c, b):
            pltpu.make_async_copy(
                idx_hbm.at[pl.ds(base + c * chunk, chunk)], idxb[b], isem[b]
            ).wait()

        def remap(b):
            for g in range(chunk // 16):
                sl = pl.ds(g * 16, 16)
                vv = idxb[b][sl]
                idxb[b][sl] = (
                    (vv & jnp.int32(-16384))
                    + ((vv & 8191) * 2)
                    + ((vv >> 13) & 1)
                )

        def g_start(b):
            pltpu.make_async_copy(table_hbm.at[idxb[b]], rows[b], gsem[b]).start()

        def g_wait(b):
            pltpu.make_async_copy(table_hbm.at[idxb[b]], rows[b], gsem[b]).wait()

        def o_sync(c, b):
            pltpu.sync_copy(rows[b], out_hbm.at[pl.ds(base + c * chunk, chunk)])

        i_start(0, 0)
        i_start(1, 1)
        i_wait(0, 0)
        remap(0)
        g_start(0)

        def outer(i2, _):
            for b in range(2):
                c = i2 * 2 + b
                g_wait(b)

                @pl.when(i2 < n_outer - 1)
                def _():
                    i_start(c + 2, b)
                    i_wait(c + 1, 1 - b)
                    remap(1 - b)
                    g_start(1 - b)

                if b == 0:

                    @pl.when(i2 == n_outer - 1)
                    def _():
                        i_wait(c + 1, 1 - b)
                        remap(1 - b)
                        g_start(1 - b)

                o_sync(c, b)
            return 0

        lax.fori_loop(0, n_outer, outer, 0)

    return k


def kernel(x, table):
    b, l = x.shape
    v, d = table.shape
    n_total = b * l
    idx_lmajor = jnp.transpose(x).reshape(n_total).astype(jnp.int32)
    packed = _tc_pack_table(table)
    tbl_rows = packed.reshape(packed.shape[0] * 2, d)
    info = plsc.get_sparse_core_info()
    nw = info.num_cores * info.num_subcores
    n_per_w = n_total // nw
    k = _make_embed_kernel(n_total, d, n_per_w, 256, info.num_cores)
    out_flat = k(idx_lmajor, tbl_rows)
    tiled = _tc_retile_out(
        out_flat.reshape(n_total * d), l, b, d, float(math.sqrt(d))
    )
    final = jnp.transpose(tiled, (2, 4, 0, 1, 3)).reshape(b, l, d)
    return final

# --- scband reference (transcript-rebuilt; emitter-appended) ---
"""Pipeline reference for scband-input-embeddings-52716428591271 (READ-ONLY COPY).

The authoritative reference and input builder live on the scoring server;
editing this copy changes nothing except your own understanding.
"""

import jax, jax.numpy as jnp
import numpy as np
import math

VOCAB = 1000000
D_MODEL = 64
B = 4096
L = 200

def setup_inputs(seed: int = 0) -> dict:
    key = jax.random.key(seed)
    k1, k2 = jax.random.split(key)
    x = jax.random.randint(k1, (B, L), 0, VOCAB, dtype=jnp.int64 if jax.config.jax_enable_x64 else jnp.int32)
    table = jax.random.normal(k2, (VOCAB, D_MODEL), dtype=jnp.float32)
    return {"x": x, "table": table}

def reference(x, table):
    # InputEmbeddings.forward: embedding(x) * sqrt(d_model)
    emb = jnp.take(table, x, axis=0)
    return emb * math.sqrt(D_MODEL)

if __name__ == "__main__":
    import jax
    _d = setup_inputs()
    print(jax.jit(kernel)(*tuple(_d.values())))

</pallas_src>

<mosaic_0001>
#map = affine_map<(d0, d1) -> (0)>
#map1 = affine_map<(d0, d1) -> (0, 0)>
module attributes {stable_mosaic.version = 14 : i64} {
  func.func @k(%arg0: i32, %arg1: i32, %arg2: memref<819200xi32, #tpu.memory_space<hbm>>, %arg3: memref<1015808x64xf32, #tpu.memory_space<hbm>>, %arg4: memref<819200x64xf32, #tpu.memory_space<hbm>>, %arg5: memref<256xi32, #tpu.memory_space<vmem>>, %arg6: memref<256xi32, #tpu.memory_space<vmem>>, %arg7: memref<256x64xf32, #tpu.memory_space<vmem>>, %arg8: memref<256x64xf32, #tpu.memory_space<vmem>>, %arg9: memref<!tpu.dma_semaphore, #tpu.memory_space<semaphore_mem>>, %arg10: memref<!tpu.dma_semaphore, #tpu.memory_space<semaphore_mem>>, %arg11: memref<!tpu.dma_semaphore, #tpu.memory_space<semaphore_mem>>, %arg12: memref<!tpu.dma_semaphore, #tpu.memory_space<semaphore_mem>>) attributes {dimension_semantics = [#tpu.dimension_semantics<core_parallel>, #tpu.dimension_semantics<subcore_parallel>], iteration_bounds = array<i64: 2, 16>, scalar_prefetch = 0 : i64, scratch_operands = 8 : i64, tpu.core_type = #tpu.core_type<sc_vector_subcore>, window_params = [{transform_indices = #map}, {transform_indices = #map1}, {transform_indices = #map1}]} {
    %mul3A = arith.constant 2 : i32
    %mul3A_0 = arith.muli %arg1, %mul3A : i32
    %add3A = arith.addi %mul3A_0, %arg0 : i32
    %mul3A_1 = arith.constant 25600 : i32
    %mul3A_2 = arith.muli %add3A, %mul3A_1 : i32
    %add3A_3 = arith.constant 0 : i32
    %add3A_4 = arith.addi %mul3A_2, %add3A_3 : i32
    %dma_start3A = tpu.memref_slice %arg2[%add3A_4] : memref<819200xi32, #tpu.memory_space<hbm>> -> memref<256xi32, #tpu.memory_space<hbm>>
    %dma_start3A_5 = tpu.memref_slice %arg2[%add3A_4] : memref<819200xi32, #tpu.memory_space<hbm>> -> memref<256xi32, #tpu.memory_space<hbm>>
    tpu.enqueue_dma source(%dma_start3A_5 : memref<256xi32, #tpu.memory_space<hbm>>) target(%arg5 : memref<256xi32, #tpu.memory_space<vmem>>) target_semaphore(%arg9 : memref<!tpu.dma_semaphore, #tpu.memory_space<semaphore_mem>>)
    %add3A_6 = arith.constant 256 : i32
    %add3A_7 = arith.addi %mul3A_2, %add3A_6 : i32
    %dma_start3A_8 = tpu.memref_slice %arg2[%add3A_7] : memref<819200xi32, #tpu.memory_space<hbm>> -> memref<256xi32, #tpu.memory_space<hbm>>
    %dma_start3A_9 = tpu.memref_slice %arg2[%add3A_7] : memref<819200xi32, #tpu.memory_space<hbm>> -> memref<256xi32, #tpu.memory_space<hbm>>
    tpu.enqueue_dma source(%dma_start3A_9 : memref<256xi32, #tpu.memory_space<hbm>>) target(%arg6 : memref<256xi32, #tpu.memory_space<vmem>>) target_semaphore(%arg10 : memref<!tpu.dma_semaphore, #tpu.memory_space<semaphore_mem>>)
    %add3A_10 = arith.constant 0 : i32
    %add3A_11 = arith.addi %mul3A_2, %add3A_10 : i32
    %dma_wait3A = tpu.memref_slice %arg2[%add3A_11] : memref<819200xi32, #tpu.memory_space<hbm>> -> memref<256xi32, #tpu.memory_space<hbm>>
    %dma_wait3A_12 = tpu.memref_slice %arg2[%add3A_11] : memref<819200xi32, #tpu.memory_space<hbm>> -> memref<256xi32, #tpu.memory_space<hbm>>
    tpu.wait_dma2 semaphore(%arg9 : memref<!tpu.dma_semaphore, #tpu.memory_space<semaphore_mem>>) src(%dma_wait3A_12 : memref<256xi32, #tpu.memory_space<hbm>>) dst(%arg5 : memref<256xi32, #tpu.memory_space<vmem>>)
    %get3A = arith.constant 0 : index
    %get3A_13 = tpu.vector_load %arg5[%get3A] {strides = array<i32>} : memref<256xi32, #tpu.memory_space<vmem>>, vector<16xi32>,
    %get3A_14 = vector.shape_cast %get3A_13 : vector<16xi32> to vector<16xi32>
    %and3A = arith.constant -16384 : i32
    %and3A_15 = vector.broadcast %and3A : i32 to vector<16xi32>
    %and3A_16 = arith.andi %get3A_14, %and3A_15 : vector<16xi32>
    %and3A_17 = arith.constant 8191 : i32
    %and3A_18 = vector.broadcast %and3A_17 : i32 to vector<16xi32>
    %and3A_19 = arith.andi %get3A_14, %and3A_18 : vector<16xi32>
    %mul3A_20 = arith.constant 2 : i32
    %mul3A_21 = vector.broadcast %mul3A_20 : i32 to vector<16xi32>
    %mul3A_22 = arith.muli %and3A_19, %mul3A_21 : vector<16xi32>
    %add3A_23 = arith.addi %and3A_16, %mul3A_22 : vector<16xi32>
    %shift_right_arithmetic3A = arith.constant 13 : i32
    %shift_right_arithmetic3A_24 = vector.broadcast %shift_right_arithmetic3A : i32 to vector<16xi32>
    %shift_right_arithmetic3A_25 = arith.shrsi %get3A_14, %shift_right_arithmetic3A_24 : vector<16xi32>
    %and3A_26 = arith.constant 1 : i32
    %and3A_27 = vector.broadcast %and3A_26 : i32 to vector<16xi32>
    %and3A_28 = arith.andi %shift_right_arithmetic3A_25, %and3A_27 : vector<16xi32>
    %add3A_29 = arith.addi %add3A_23, %and3A_28 : vector<16xi32>
    %swap3A = arith.constant 0 : index
    %swap3A_30 = tpu.vector_load %arg5[%swap3A] {strides = array<i32>} : memref<256xi32, #tpu.memory_space<vmem>>, vector<16xi32>,
    %swap3A_31 = vector.shape_cast %swap3A_30 : vector<16xi32> to vector<16xi32>
    %swap3A_32 = vector.shape_cast %add3A_29 : vector<16xi32> to vector<16xi32>
    tpu.vector_store %arg5[%swap3A], %swap3A_32 {strides = array<i32>} : memref<256xi32, #tpu.memory_space<vmem>>, vector<16xi32>,
    %get3A_33 = arith.constant 16 : index
    %get3A_34 = tpu.vector_load %arg5[%get3A_33] {strides = array<i32>} : memref<256xi32, #tpu.memory_space<vmem>>, vector<16xi32>,
    %get3A_35 = vector.shape_cast %get3A_34 : vector<16xi32> to vector<16xi32>
    %and3A_36 = arith.constant -16384 : i32
    %and3A_37 = vector.broadcast %and3A_36 : i32 to vector<16xi32>
    %and3A_38 = arith.andi %get3A_35, %and3A_37 : vector<16xi32>
    %and3A_39 = arith.constant 8191 : i32
    %and3A_40 = vector.broadcast %and3A_39 : i32 to vector<16xi32>
    %and3A_41 = arith.andi %get3A_35, %and3A_40 : vector<16xi32>
    %mul3A_42 = arith.constant 2 : i32
    %mul3A_43 = vector.broadcast %mul3A_42 : i32 to vector<16xi32>
    %mul3A_44 = arith.muli %and3A_41, %mul3A_43 : vector<16xi32>
    %add3A_45 = arith.addi %and3A_38, %mul3A_44 : vector<16xi32>
    %shift_right_arithmetic3A_46 = arith.constant 13 : i32
    %shift_right_arithmetic3A_47 = vector.broadcast %shift_right_arithmetic3A_46 : i32 to vector<16xi32>
    %shift_right_arithmetic3A_48 = arith.shrsi %get3A_35, %shift_right_arithmetic3A_47 : vector<16xi32>
    %and3A_49 = arith.constant 1 : i32
    %and3A_50 = vector.broadcast %and3A_49 : i32 to vector<16xi32>
    %and3A_51 = arith.andi %shift_right_arithmetic3A_48, %and3A_50 : vector<16xi32>
    %add3A_52 = arith.addi %add3A_45, %and3A_51 : vector<16xi32>
    %swap3A_53 = arith.constant 16 : index
    %swap3A_54 = tpu.vector_load %arg5[%swap3A_53] {strides = array<i32>} : memref<256xi32, #tpu.memory_space<vmem>>, vector<16xi32>,
    %swap3A_55 = vector.shape_cast %swap3A_54 : vector<16xi32> to vector<16xi32>
    %swap3A_56 = vector.shape_cast %add3A_52 : vector<16xi32> to vector<16xi32>
    tpu.vector_store %arg5[%swap3A_53], %swap3A_56 {strides = array<i32>} : memref<256xi32, #tpu.memory_space<vmem>>, vector<16xi32>,
    %get3A_57 = arith.constant 32 : index
    %get3A_58 = tpu.vector_load %arg5[%get3A_57] {strides = array<i32>} : memref<256xi32, #tpu.memory_space<vmem>>, vector<16xi32>,
    %get3A_59 = vector.shape_cast %get3A_58 : vector<16xi32> to vector<16xi32>
    %and3A_60 = arith.constant -16384 : i32
    %and3A_61 = vector.broadcast %and3A_60 : i32 to vector<16xi32>
    %and3A_62 = arith.andi %get3A_59, %and3A_61 : vector<16xi32>
    %and3A_63 = arith.constant 8191 : i32
    %and3A_64 = vector.broadcast %and3A_63 : i32 to vector<16xi32>
    %and3A_65 = arith.andi %get3A_59, %and3A_64 : vector<16xi32>
    %mul3A_66 = arith.constant 2 : i32
    %mul3A_67 = vector.broadcast %mul3A_66 : i32 to vector<16xi32>
    %mul3A_68 = arith.muli %and3A_65, %mul3A_67 : vector<16xi32>
    %add3A_69 = arith.addi %and3A_62, %mul3A_68 : vector<16xi32>
    %shift_right_arithmetic3A_70 = arith.constant 13 : i32
    %shift_right_arithmetic3A_71 = vector.broadcast %shift_right_arithmetic3A_70 : i32 to vector<16xi32>
    %shift_right_arithmetic3A_72 = arith.shrsi %get3A_59, %shift_right_arithmetic3A_71 : vector<16xi32>
    %and3A_73 = arith.constant 1 : i32
    %and3A_74 = vector.broadcast %and3A_73 : i32 to vector<16xi32>
    %and3A_75 = arith.andi %shift_right_arithmetic3A_72, %and3A_74 : vector<16xi32>
    %add3A_76 = arith.addi %add3A_69, %and3A_75 : vector<16xi32>
    %swap3A_77 = arith.constant 32 : index
    %swap3A_78 = tpu.vector_load %arg5[%swap3A_77] {strides = array<i32>} : memref<256xi32, #tpu.memory_space<vmem>>, vector<16xi32>,
    %swap3A_79 = vector.shape_cast %swap3A_78 : vector<16xi32> to vector<16xi32>
    %swap3A_80 = vector.shape_cast %add3A_76 : vector<16xi32> to vector<16xi32>
    tpu.vector_store %arg5[%swap3A_77], %swap3A_80 {strides = array<i32>} : memref<256xi32, #tpu.memory_space<vmem>>, vector<16xi32>,
    %get3A_81 = arith.constant 48 : index
    %get3A_82 = tpu.vector_load %arg5[%get3A_81] {strides = array<i32>} : memref<256xi32, #tpu.memory_space<vmem>>, vector<16xi32>,
    %get3A_83 = vector.shape_cast %get3A_82 : vector<16xi32> to vector<16xi32>
    %and3A_84 = arith.constant -16384 : i32
    %and3A_85 = vector.broadcast %and3A_84 : i32 to vector<16xi32>
    %and3A_86 = arith.andi %get3A_83, %and3A_85 : vector<16xi32>
    %and3A_87 = arith.constant 8191 : i32
    %and3A_88 = vector.broadcast %and3A_87 : i32 to vector<16xi32>
    %and3A_89 = arith.andi %get3A_83, %and3A_88 : vector<16xi32>
    %mul3A_90 = arith.constant 2 : i32
    %mul3A_91 = vector.broadcast %mul3A_90 : i32 to vector<16xi32>
    %mul3A_92 = arith.muli %and3A_89, %mul3A_91 : vector<16xi32>
    %add3A_93 = arith.addi %and3A_86, %mul3A_92 : vector<16xi32>
    %shift_right_arithmetic3A_94 = arith.constant 13 : i32
    %shift_right_arithmetic3A_95 = vector.broadcast %shift_right_arithmetic3A_94 : i32 to vector<16xi32>
    %shift_right_arithmetic3A_96 = arith.shrsi %get3A_83, %shift_right_arithmetic3A_95 : vector<16xi32>
    %and3A_97 = arith.constant 1 : i32
    %and3A_98 = vector.broadcast %and3A_97 : i32 to vector<16xi32>
    %and3A_99 = arith.andi %shift_right_arithmetic3A_96, %and3A_98 : vector<16xi32>
    %add3A_100 = arith.addi %add3A_93, %and3A_99 : vector<16xi32>
    %swap3A_101 = arith.constant 48 : index
    %swap3A_102 = tpu.vector_load %arg5[%swap3A_101] {strides = array<i32>} : memref<256xi32, #tpu.memory_space<vmem>>, vector<16xi32>,
    %swap3A_103 = vector.shape_cast %swap3A_102 : vector<16xi32> to vector<16xi32>
    %swap3A_104 = vector.shape_cast %add3A_100 : vector<16xi32> to vector<16xi32>
    tpu.vector_store %arg5[%swap3A_101], %swap3A_104 {strides = array<i32>} : memref<256xi32, #tpu.memory_space<vmem>>, vector<16xi32>,
    %get3A_105 = arith.constant 64 : index
    %get3A_106 = tpu.vector_load %arg5[%get3A_105] {strides = array<i32>} : memref<256xi32, #tpu.memory_space<vmem>>, vector<16xi32>,
    %get3A_107 = vector.shape_cast %get3A_106 : vector<16xi32> to vector<16xi32>
    %and3A_108 = arith.constant -16384 : i32
    %and3A_109 = vector.broadcast %and3A_108 : i32 to vector<16xi32>
    %and3A_110 = arith.andi %get3A_107, %and3A_109 : vector<16xi32>
    %and3A_111 = arith.constant 8191 : i32
    %and3A_112 = vector.broadcast %and3A_111 : i32 to vector<16xi32>
    %and3A_113 = arith.andi %get3A_107, %and3A_112 : vector<16xi32>
    %mul3A_114 = arith.constant 2 : i32
    %mul3A_115 = vector.broadcast %mul3A_114 : i32 to vector<16xi32>
    %mul3A_116 = arith.muli %and3A_113, %mul3A_115 : vector<16xi32>
    %add3A_117 = arith.addi %and3A_110, %mul3A_116 : vector<16xi32>
    %shift_right_arithmetic3A_118 = arith.constant 13 : i32
    %shift_right_arithmetic3A_119 = vector.broadcast %shift_right_arithmetic3A_118 : i32 to vector<16xi32>
    %shift_right_arithmetic3A_120 = arith.shrsi %get3A_107, %shift_right_arithmetic3A_119 : vector<16xi32>
    %and3A_121 = arith.constant 1 : i32
    %and3A_122 = vector.broadcast %and3A_121 : i32 to vector<16xi32>
    %and3A_123 = arith.andi %shift_right_arithmetic3A_120, %and3A_122 : vector<16xi32>
    %add3A_124 = arith.addi %add3A_117, %and3A_123 : vector<16xi32>
    %swap3A_125 = arith.constant 64 : index
    %swap3A_126 = tpu.vector_load %arg5[%swap3A_125] {strides = array<i32>} : memref<256xi32, #tpu.memory_space<vmem>>, vector<16xi32>,
    %swap3A_127 = vector.shape_cast %swap3A_126 : vector<16xi32> to vector<16xi32>
    %swap3A_128 = vector.shape_cast %add3A_124 : vector<16xi32> to vector<16xi32>
    tpu.vector_store %arg5[%swap3A_125], %swap3A_128 {strides = array<i32>} : memref<256xi32, #tpu.memory_space<vmem>>, vector<16xi32>,
    %get3A_129 = arith.constant 80 : index
    %get3A_130 = tpu.vector_load %arg5[%get3A_129] {strides = array<i32>} : memref<256xi32, #tpu.memory_space<vmem>>, vector<16xi32>,
    %get3A_131 = vector.shape_cast %get3A_130 : vector<16xi32> to vector<16xi32>
    %and3A_132 = arith.constant -16384 : i32
    %and3A_133 = vector.broadcast %and3A_132 : i32 to vector<16xi32>
    %and3A_134 = arith.andi %get3A_131, %and3A_133 : vector<16xi32>
    %and3A_135 = arith.constant 8191 : i32
    %and3A_136 = vector.broadcast %and3A_135 : i32 to vector<16xi32>
    %and3A_137 = arith.andi %get3A_131, %and3A_136 : vector<16xi32>
    %mul3A_138 = arith.constant 2 : i32
    %mul3A_139 = vector.broadcast %mul3A_138 : i32 to vector<16xi32>
    %mul3A_140 = arith.muli %and3A_137, %mul3A_139 : vector<16xi32>
    %add3A_141 = arith.addi %and3A_134, %mul3A_140 : vector<16xi32>
    %shift_right_arithmetic3A_142 = arith.constant 13 : i32
    %shift_right_arithmetic3A_143 = vector.broadcast %shift_right_arithmetic3A_142 : i32 to vector<16xi32>
    %shift_right_arithmetic3A_144 = arith.shrsi %get3A_131, %shift_right_arithmetic3A_143 : vector<16xi32>
    %and3A_145 = arith.constant 1 : i32
    %and3A_146 = vector.broadcast %and3A_145 : i32 to vector<16xi32>
    %and3A_147 = arith.andi %shift_right_arithmetic3A_144, %and3A_146 : vector<16xi32>
    %add3A_148 = arith.addi %add3A_141, %and3A_147 : vector<16xi32>
    %swap3A_149 = arith.constant 80 : index
    %swap3A_150 = tpu.vector_load %arg5[%swap3A_149] {strides = array<i32>} : memref<256xi32, #tpu.memory_space<vmem>>, vector<16xi32>,
    %swap3A_151 = vector.shape_cast %swap3A_150 : vector<16xi32> to vector<16xi32>
    %swap3A_152 = vector.shape_cast %add3A_148 : vector<16xi32> to vector<16xi32>
    tpu.vector_store %arg5[%swap3A_149], %swap3A_152 {strides = array<i32>} : memref<256xi32, #tpu.memory_space<vmem>>, vector<16xi32>,
    %get3A_153 = arith.constant 96 : index
    %get3A_154 = tpu.vector_load %arg5[%get3A_153] {strides = array<i32>} : memref<256xi32, #tpu.memory_space<vmem>>, vector<16xi32>,
    %get3A_155 = vector.shape_cast %get3A_154 : vector<16xi32> to vector<16xi32>
    %and3A_156 = arith.constant -16384 : i32
    %and3A_157 = vector.broadcast %and3A_156 : i32 to vector<16xi32>
    %and3A_158 = arith.andi %get3A_155, %and3A_157 : vector<16xi32>
    %and3A_159 = arith.constant 8191 : i32
    %and3A_160 = vector.broadcast %and3A_159 : i32 to vector<16xi32>
    %and3A_161 = arith.andi %get3A_155, %and3A_160 : vector<16xi32>
    %mul3A_162 = arith.constant 2 : i32
    %mul3A_163 = vector.broadcast %mul3A_162 : i32 to vector<16xi32>
    %mul3A_164 = arith.muli %and3A_161, %mul3A_163 : vector<16xi32>
    %add3A_165 = arith.addi %and3A_158, %mul3A_164 : vector<16xi32>
    %shift_right_arithmetic3A_166 = arith.constant 13 : i32
    %shift_right_arithmetic3A_167 = vector.broadcast %shift_right_arithmetic3A_166 : i32 to vector<16xi32>
    %shift_right_arithmetic3A_168 = arith.shrsi %get3A_155, %shift_right_arithmetic3A_167 : vector<16xi32>
    %and3A_169 = arith.constant 1 : i32
    %and3A_170 = vector.broadcast %and3A_169 : i32 to vector<16xi32>
    %and3A_171 = arith.andi %shift_right_arithmetic3A_168, %and3A_170 : vector<16xi32>
    %add3A_172 = arith.addi %add3A_165, %and3A_171 : vector<16xi32>
    %swap3A_173 = arith.constant 96 : index
    %swap3A_174 = tpu.vector_load %arg5[%swap3A_173] {strides = array<i32>} : memref<256xi32, #tpu.memory_space<vmem>>, vector<16xi32>,
    %swap3A_175 = vector.shape_cast %swap3A_174 : vector<16xi32> to vector<16xi32>
    %swap3A_176 = vector.shape_cast %add3A_172 : vector<16xi32> to vector<16xi32>
    tpu.vector_store %arg5[%swap3A_173], %swap3A_176 {strides = array<i32>} : memref<256xi32, #tpu.memory_space<vmem>>, vector<16xi32>,
    %get3A_177 = arith.constant 112 : index
    %get3A_178 = tpu.vector_load %arg5[%get3A_177] {strides = array<i32>} : memref<256xi32, #tpu.memory_space<vmem>>, vector<16xi32>,
    %get3A_179 = vector.shape_cast %get3A_178 : vector<16xi32> to vector<16xi32>
    %and3A_180 = arith.constant -16384 : i32
    %and3A_181 = vector.broadcast %and3A_180 : i32 to vector<16xi32>
    %and3A_182 = arith.andi %get3A_179, %and3A_181 : vector<16xi32>
    %and3A_183 = arith.constant 8191 : i32
    %and3A_184 = vector.broadcast %and3A_183 : i32 to vector<16xi32>
    %and3A_185 = arith.andi %get3A_179, %and3A_184 : vector<16xi32>
    %mul3A_186 = arith.constant 2 : i32
    %mul3A_187 = vector.broadcast %mul3A_186 : i32 to vector<16xi32>
    %mul3A_188 = arith.muli %and3A_185, %mul3A_187 : vector<16xi32>
    %add3A_189 = arith.addi %and3A_182, %mul3A_188 : vector<16xi32>
    %shift_right_arithmetic3A_190 = arith.constant 13 : i32
    %shift_right_arithmetic3A_191 = vector.broadcast %shift_right_arithmetic3A_190 : i32 to vector<16xi32>
    %shift_right_arithmetic3A_192 = arith.shrsi %get3A_179, %shift_right_arithmetic3A_191 : vector<16xi32>
    %and3A_193 = arith.constant 1 : i32
    %and3A_194 = vector.broadcast %and3A_193 : i32 to vector<16xi32>
    %and3A_195 = arith.andi %shift_right_arithmetic3A_192, %and3A_194 : vector<16xi32>
    %add3A_196 = arith.addi %add3A_189, %and3A_195 : vector<16xi32>
    %swap3A_197 = arith.constant 112 : index
    %swap3A_198 = tpu.vector_load %arg5[%swap3A_197] {strides = array<i32>} : memref<256xi32, #tpu.memory_space<vmem>>, vector<16xi32>,
    %swap3A_199 = vector.shape_cast %swap3A_198 : vector<16xi32> to vector<16xi32>
    %swap3A_200 = vector.shape_cast %add3A_196 : vector<16xi32> to vector<16xi32>
    tpu.vector_store %arg5[%swap3A_197], %swap3A_200 {strides = array<i32>} : memref<256xi32, #tpu.memory_space<vmem>>, vector<16xi32>,
    %get3A_201 = arith.constant 128 : index
    %get3A_202 = tpu.vector_load %arg5[%get3A_201] {strides = array<i32>} : memref<256xi32, #tpu.memory_space<vmem>>, vector<16xi32>,
    %get3A_203 = vector.shape_cast %get3A_202 : vector<16xi32> to vector<16xi32>
    %and3A_204 = arith.constant -16384 : i32
    %and3A_205 = vector.broadcast %and3A_204 : i32 to vector<16xi32>
    %and3A_206 = arith.andi %get3A_203, %and3A_205 : vector<16xi32>
    %and3A_207 = arith.constant 8191 : i32
    %and3A_208 = vector.broadcast %and3A_207 : i32 to vector<16xi32>
    %and3A_209 = arith.andi %get3A_203, %and3A_208 : vector<16xi32>
    %mul3A_210 = arith.constant 2 : i32
    %mul3A_211 = vector.broadcast %mul3A_210 : i32 to vector<16xi32>
    %mul3A_212 = arith.muli %and3A_209, %mul3A_211 : vector<16xi32>
    %add3A_213 = arith.addi %and3A_206, %mul3A_212 : vector<16xi32>
    %shift_right_arithmetic3A_214 = arith.constant 13 : i32
    %shift_right_arithmetic3A_215 = vector.broadcast %shift_right_arithmetic3A_214 : i32 to vector<16xi32>
    %shift_right_arithmetic3A_216 = arith.shrsi %get3A_203, %shift_right_arithmetic3A_215 : vector<16xi32>
    %and3A_217 = arith.constant 1 : i32
    %and3A_218 = vector.broadcast %and3A_217 : i32 to vector<16xi32>
    %and3A_219 = arith.andi %shift_right_arithmetic3A_216, %and3A_218 : vector<16xi32>
    %add3A_220 = arith.addi %add3A_213, %and3A_219 : vector<16xi32>
    %swap3A_221 = arith.constant 128 : index
    %swap3A_222 = tpu.vector_load %arg5[%swap3A_221] {strides = array<i32>} : memref<256xi32, #tpu.memory_space<vmem>>, vector<16xi32>,
    %swap3A_223 = vector.shape_cast %swap3A_222 : vector<16xi32> to vector<16xi32>
    %swap3A_224 = vector.shape_cast %add3A_220 : vector<16xi32> to vector<16xi32>
    tpu.vector_store %arg5[%swap3A_221], %swap3A_224 {strides = array<i32>} : memref<256xi32, #tpu.memory_space<vmem>>, vector<16xi32>,
    %get3A_225 = arith.constant 144 : index
    %get3A_226 = tpu.vector_load %arg5[%get3A_225] {strides = array<i32>} : memref<256xi32, #tpu.memory_space<vmem>>, vector<16xi32>,
    %get3A_227 = vector.shape_cast %get3A_226 : vector<16xi32> to vector<16xi32>
    %and3A_228 = arith.constant -16384 : i32
    %and3A_229 = vector.broadcast %and3A_228 : i32 to vector<16xi32>
    %and3A_230 = arith.andi %get3A_227, %and3A_229 : vector<16xi32>
    %and3A_231 = arith.constant 8191 : i32
    %and3A_232 = vector.broadcast %and3A_231 : i32 to vector<16xi32>
    %and3A_233 = arith.andi %get3A_227, %and3A_232 : vector<16xi32>
    %mul3A_234 = arith.constant 2 : i32
    %mul3A_235 = vector.broadcast %mul3A_234 : i32 to vector<16xi32>
    %mul3A_236 = arith.muli %and3A_233, %mul3A_235 : vector<16xi32>
    %add3A_237 = arith.addi %and3A_230, %mul3A_236 : vector<16xi32>
    %shift_right_arithmetic3A_238 = arith.constant 13 : i32
    %shift_right_arithmetic3A_239 = vector.broadcast %shift_right_arithmetic3A_238 : i32 to vector<16xi32>
    %shift_right_arithmetic3A_240 = arith.shrsi %get3A_227, %shift_right_arithmetic3A_239 : vector<16xi32>
    %and3A_241 = arith.constant 1 : i32
    %and3A_242 = vector.broadcast %and3A_241 : i32 to vector<16xi32>
    %and3A_243 = arith.andi %shift_right_arithmetic3A_240, %and3A_242 : vector<16xi32>
    %add3A_244 = arith.addi %add3A_237, %and3A_243 : vector<16xi32>
    %swap3A_245 = arith.constant 144 : index
    %swap3A_246 = tpu.vector_load %arg5[%swap3A_245] {strides = array<i32>} : memref<256xi32, #tpu.memory_space<vmem>>, vector<16xi32>,
    %swap3A_247 = vector.shape_cast %swap3A_246 : vector<16xi32> to vector<16xi32>
    %swap3A_248 = vector.shape_cast %add3A_244 : vector<16xi32> to vector<16xi32>
    tpu.vector_store %arg5[%swap3A_245], %swap3A_248 {strides = array<i32>} : memref<256xi32, #tpu.memory_space<vmem>>, vector<16xi32>,
    %get3A_249 = arith.constant 160 : index
    %get3A_250 = tpu.vector_load %arg5[%get3A_249] {strides = array<i32>} : memref<256xi32, #tpu.memory_space<vmem>>, vector<16xi32>,
    %get3A_251 = vector.shape_cast %get3A_250 : vector<16xi32> to vector<16xi32>
    %and3A_252 = arith.constant -16384 : i32
    %and3A_253 = vector.broadcast %and3A_252 : i32 to vector<16xi32>
    %and3A_254 = arith.andi %get3A_251, %and3A_253 : vector<16xi32>
    %and3A_255 = arith.constant 8191 : i32
    %and3A_256 = vector.broadcast %and3A_255 : i32 to vector<16xi32>
    %and3A_257 = arith.andi %get3A_251, %and3A_256 : vector<16xi32>
    %mul3A_258 = arith.constant 2 : i32
    %mul3A_259 = vector.broadcast %mul3A_258 : i32 to vector<16xi32>
    %mul3A_260 = arith.muli %and3A_257, %mul3A_259 : vector<16xi32>
    %add3A_261 = arith.addi %and3A_254, %mul3A_260 : vector<16xi32>
    %shift_right_arithmetic3A_262 = arith.constant 13 : i32
    %shift_right_arithmetic3A_263 = vector.broadcast %shift_right_arithmetic3A_262 : i32 to vector<16xi32>
    %shift_right_arithmetic3A_264 = arith.shrsi %get3A_251, %shift_right_arithmetic3A_263 : vector<16xi32>
    %and3A_265 = arith.constant 1 : i32
    %and3A_266 = vector.broadcast %and3A_265 : i32 to vector<16xi32>
    %and3A_267 = arith.andi %shift_right_arithmetic3A_264, %and3A_266 : vector<16xi32>
    %add3A_268 = arith.addi %add3A_261, %and3A_267 : vector<16xi32>
    %swap3A_269 = arith.constant 160 : index
    %swap3A_270 = tpu.vector_load %arg5[%swap3A_269] {strides = array<i32>} : memref<256xi32, #tpu.memory_space<vmem>>, vector<16xi32>,
    %swap3A_271 = vector.shape_cast %swap3A_270 : vector<16xi32> to vector<16xi32>
    %swap3A_272 = vector.shape_cast %add3A_268 : vector<16xi32> to vector<16xi32>
    tpu.vector_store %arg5[%swap3A_269], %swap3A_272 {strides = array<i32>} : memref<256xi32, #tpu.memory_space<vmem>>, vector<16xi32>,
    %get3A_273 = arith.constant 176 : index
    %get3A_274 = tpu.vector_load %arg5[%get3A_273] {strides = array<i32>} : memref<256xi32, #tpu.memory_space<vmem>>, vector<16xi32>,
    %get3A_275 = vector.shape_cast %get3A_274 : vector<16xi32> to vector<16xi32>
    %and3A_276 = arith.constant -16384 : i32
    %and3A_277 = vector.broadcast %and3A_276 : i32 to vector<16xi32>
    %and3A_278 = arith.andi %get3A_275, %and3A_277 : vector<16xi32>
    %and3A_279 = arith.constant 8191 : i32
    %and3A_280 = vector.broadcast %and3A_279 : i32 to vector<16xi32>
    %and3A_281 = arith.andi %get3A_275, %and3A_280 : vector<16xi32>
    %mul3A_282 = arith.constant 2 : i32
    %mul3A_283 = vector.broadcast %mul3A_282 : i32 to vector<16xi32>
    %mul3A_284 = arith.muli %and3A_281, %mul3A_283 : vector<16xi32>
    %add3A_285 = arith.addi %and3A_278, %mul3A_284 : vector<16xi32>
    %shift_right_arithmetic3A_286 = arith.constant 13 : i32
    %shift_right_arithmetic3A_287 = vector.broadcast %shift_right_arithmetic3A_286 : i32 to vector<16xi32>
    %shift_right_arithmetic3A_288 = arith.shrsi %get3A_275, %shift_right_arithmetic3A_287 : vector<16xi32>
    %and3A_289 = arith.constant 1 : i32
    %and3A_290 = vector.broadcast %and3A_289 : i32 to vector<16xi32>
    %and3A_291 = arith.andi %shift_right_arithmetic3A_288, %and3A_290 : vector<16xi32>
    %add3A_292 = arith.addi %add3A_285, %and3A_291 : vector<16xi32>
    %swap3A_293 = arith.constant 176 : index
    %swap3A_294 = tpu.vector_load %arg5[%swap3A_293] {strides = array<i32>} : memref<256xi32, #tpu.memory_space<vmem>>, vector<16xi32>,
    %swap3A_295 = vector.shape_cast %swap3A_294 : vector<16xi32> to vector<16xi32>
    %swap3A_296 = vector.shape_cast %add3A_292 : vector<16xi32> to vector<16xi32>
    tpu.vector_store %arg5[%swap3A_293], %swap3A_296 {strides = array<i32>} : memref<256xi32, #tpu.memory_space<vmem>>, vector<16xi32>,
    %get3A_297 = arith.constant 192 : index
    %get3A_298 = tpu.vector_load %arg5[%get3A_297] {strides = array<i32>} : memref<256xi32, #tpu.memory_space<vmem>>, vector<16xi32>,
    %get3A_299 = vector.shape_cast %get3A_298 : vector<16xi32> to vector<16xi32>
    %and3A_300 = arith.constant -16384 : i32
    %and3A_301 = vector.broadcast %and3A_300 : i32 to vector<16xi32>
    %and3A_302 = arith.andi %get3A_299, %and3A_301 : vector<16xi32>
    %and3A_303 = arith.constant 8191 : i32
    %and3A_304 = vector.broadcast %and3A_303 : i32 to vector<16xi32>
    %and3A_305 = arith.andi %get3A_299, %and3A_304 : vector<16xi32>
    %mul3A_306 = arith.constant 2 : i32
    %mul3A_307 = vector.broadcast %mul3A_306 : i32 to vector<16xi32>
    %mul3A_308 = arith.muli %and3A_305, %mul3A_307 : vector<16xi32>
    %add3A_309 = arith.addi %and3A_302, %mul3A_308 : vector<16xi32>
    %shift_right_arithmetic3A_310 = arith.constant 13 : i32
    %shift_right_arithmetic3A_311 = vector.broadcast %shift_right_arithmetic3A_310 : i32 to vector<16xi32>
    %shift_right_arithmetic3A_312 = arith.shrsi %get3A_299, %shift_right_arithmetic3A_311 : vector<16xi32>
    %and3A_313 = arith.constant 1 : i32
    %and3A_314 = vector.broadcast %and3A_313 : i32 to vector<16xi32>
    %and3A_315 = arith.andi %shift_right_arithmetic3A_312, %and3A_314 : vector<16xi32>
    %add3A_316 = arith.addi %add3A_309, %and3A_315 : vector<16xi32>
    %swap3A_317 = arith.constant 192 : index
    %swap3A_318 = tpu.vector_load %arg5[%swap3A_317] {strides = array<i32>} : memref<256xi32, #tpu.memory_space<vmem>>, vector<16xi32>,
    %swap3A_319 = vector.shape_cast %swap3A_318 : vector<16xi32> to vector<16xi32>
    %swap3A_320 = vector.shape_cast %add3A_316 : vector<16xi32> to vector<16xi32>
    tpu.vector_store %arg5[%swap3A_317], %swap3A_320 {strides = array<i32>} : memref<256xi32, #tpu.memory_space<vmem>>, vector<16xi32>,
    %get3A_321 = arith.constant 208 : index
    %get3A_322 = tpu.vector_load %arg5[%get3A_321] {strides = array<i32>} : memref<256xi32, #tpu.memory_space<vmem>>, vector<16xi32>,
    %get3A_323 = vector.shape_cast %get3A_322 : vector<16xi32> to vector<16xi32>
    %and3A_324 = arith.constant -16384 : i32
    %and3A_325 = vector.broadcast %and3A_324 : i32 to vector<16xi32>
    %and3A_326 = arith.andi %get3A_323, %and3A_325 : vector<16xi32>
    %and3A_327 = arith.constant 8191 : i32
    %and3A_328 = vector.broadcast %and3A_327 : i32 to vector<16xi32>
    %and3A_329 = arith.andi %get3A_323, %and3A_328 : vector<16xi32>
    %mul3A_330 = arith.constant 2 : i32
    %mul3A_331 = vector.broadcast %mul3A_330 : i32 to vector<16xi32>
    %mul3A_332 = arith.muli %and3A_329, %mul3A_331 : vector<16xi32>
    %add3A_333 = arith.addi %and3A_326, %mul3A_332 : vector<16xi32>
    %shift_right_arithmetic3A_334 = arith.constant 13 : i32
    %shift_right_arithmetic3A_335 = vector.broadcast %shift_right_arithmetic3A_334 : i32 to vector<16xi32>
    %shift_right_arithmetic3A_336 = arith.shrsi %get3A_323, %shift_right_arithmetic3A_335 : vector<16xi32>
    %and3A_337 = arith.constant 1 : i32
    %and3A_338 = vector.broadcast %and3A_337 : i32 to vector<16xi32>
    %and3A_339 = arith.andi %shift_right_arithmetic3A_336, %and3A_338 : vector<16xi32>
    %add3A_340 = arith.addi %add3A_333, %and3A_339 : vector<16xi32>
    %swap3A_341 = arith.constant 208 : index
    %swap3A_342 = tpu.vector_load %arg5[%swap3A_341] {strides = array<i32>} : memref<256xi32, #tpu.memory_space<vmem>>, vector<16xi32>,
    %swap3A_343 = vector.shape_cast %swap3A_342 : vector<16xi32> to vector<16xi32>
    %swap3A_344 = vector.shape_cast %add3A_340 : vector<16xi32> to vector<16xi32>
    tpu.vector_store %arg5[%swap3A_341], %swap3A_344 {strides = array<i32>} : memref<256xi32, #tpu.memory_space<vmem>>, vector<16xi32>,
    %get3A_345 = arith.constant 224 : index
    %get3A_346 = tpu.vector_load %arg5[%get3A_345] {strides = array<i32>} : memref<256xi32, #tpu.memory_space<vmem>>, vector<16xi32>,
    %get3A_347 = vector.shape_cast %get3A_346 : vector<16xi32> to vector<16xi32>
    %and3A_348 = arith.constant -16384 : i32
    %and3A_349 = vector.broadcast %and3A_348 : i32 to vector<16xi32>
    %and3A_350 = arith.andi %get3A_347, %and3A_349 : vector<16xi32>
    %and3A_351 = arith.constant 8191 : i32
    %and3A_352 = vector.broadcast %and3A_351 : i32 to vector<16xi32>
    %and3A_353 = arith.andi %get3A_347, %and3A_352 : vector<16xi32>
    %mul3A_354 = arith.constant 2 : i32
    %mul3A_355 = vector.broadcast %mul3A_354 : i32 to vector<16xi32>
    %mul3A_356 = arith.muli %and3A_353, %mul3A_355 : vector<16xi32>
    %add3A_357 = arith.addi %and3A_350, %mul3A_356 : vector<16xi32>
    %shift_right_arithmetic3A_358 = arith.constant 13 : i32
    %shift_right_arithmetic3A_359 = vector.broadcast %shift_right_arithmetic3A_358 : i32 to vector<16xi32>
    %shift_right_arithmetic3A_360 = arith.shrsi %get3A_347, %shift_right_arithmetic3A_359 : vector<16xi32>
    %and3A_361 = arith.constant 1 : i32
    %and3A_362 = vector.broadcast %and3A_361 : i32 to vector<16xi32>
    %and3A_363 = arith.andi %shift_right_arithmetic3A_360, %and3A_362 : vector<16xi32>
    %add3A_364 = arith.addi %add3A_357, %and3A_363 : vector<16xi32>
    %swap3A_365 = arith.constant 224 : index
    %swap3A_366 = tpu.vector_load %arg5[%swap3A_365] {strides = array<i32>} : memref<256xi32, #tpu.memory_space<vmem>>, vector<16xi32>,
    %swap3A_367 = vector.shape_cast %swap3A_366 : vector<16xi32> to vector<16xi32>
    %swap3A_368 = vector.shape_cast %add3A_364 : vector<16xi32> to vector<16xi32>
    tpu.vector_store %arg5[%swap3A_365], %swap3A_368 {strides = array<i32>} : memref<256xi32, #tpu.memory_space<vmem>>, vector<16xi32>,
    %get3A_369 = arith.constant 240 : index
    %get3A_370 = tpu.vector_load %arg5[%get3A_369] {strides = array<i32>} : memref<256xi32, #tpu.memory_space<vmem>>, vector<16xi32>,
    %get3A_371 = vector.shape_cast %get3A_370 : vector<16xi32> to vector<16xi32>
    %and3A_372 = arith.constant -16384 : i32
    %and3A_373 = vector.broadcast %and3A_372 : i32 to vector<16xi32>
    %and3A_374 = arith.andi %get3A_371, %and3A_373 : vector<16xi32>
    %and3A_375 = arith.constant 8191 : i32
    %and3A_376 = vector.broadcast %and3A_375 : i32 to vector<16xi32>
    %and3A_377 = arith.andi %get3A_371, %and3A_376 : vector<16xi32>
    %mul3A_378 = arith.constant 2 : i32
    %mul3A_379 = vector.broadcast %mul3A_378 : i32 to vector<16xi32>
    %mul3A_380 = arith.muli %and3A_377, %mul3A_379 : vector<16xi32>
    %add3A_381 = arith.addi %and3A_374, %mul3A_380 : vector<16xi32>
    %shift_right_arithmetic3A_382 = arith.constant 13 : i32
    %shift_right_arithmetic3A_383 = vector.broadcast %shift_right_arithmetic3A_382 : i32 to vector<16xi32>
    %shift_right_arithmetic3A_384 = arith.shrsi %get3A_371, %shift_right_arithmetic3A_383 : vector<16xi32>
    %and3A_385 = arith.constant 1 : i32
    %and3A_386 = vector.broadcast %and3A_385 : i32 to vector<16xi32>
    %and3A_387 = arith.andi %shift_right_arithmetic3A_384, %and3A_386 : vector<16xi32>
    %add3A_388 = arith.addi %add3A_381, %and3A_387 : vector<16xi32>
    %swap3A_389 = arith.constant 240 : index
    %swap3A_390 = tpu.vector_load %arg5[%swap3A_389] {strides = array<i32>} : memref<256xi32, #tpu.memory_space<vmem>>, vector<16xi32>,
    %swap3A_391 = vector.shape_cast %swap3A_390 : vector<16xi32> to vector<16xi32>
    %swap3A_392 = vector.shape_cast %add3A_388 : vector<16xi32> to vector<16xi32>
    tpu.vector_store %arg5[%swap3A_389], %swap3A_392 {strides = array<i32>} : memref<256xi32, #tpu.memory_space<vmem>>, vector<16xi32>,
    %dma_start3A_393 = arith.constant 0 : i32
    %dma_start3A_394 = arith.constant 0 : i32
    %dma_start3A_395 = tpu.memref_slice %arg3[%dma_start3A_393, %dma_start3A_394] : memref<1015808x64xf32, #tpu.memory_space<hbm>> -> memref<1015808x64xf32, #tpu.memory_space<hbm>>
    tpu.enqueue_indirect_dma source(%dma_start3A_395 : memref<1015808x64xf32, #tpu.memory_space<hbm>>) target(%arg7 : memref<256x64xf32, #tpu.memory_space<vmem>>) offsets(%arg5 : memref<256xi32, #tpu.memory_space<vmem>>) semaphore(%arg11 : memref<!tpu.dma_semaphore, #tpu.memory_space<semaphore_mem>>)
    %scan3A = arith.constant 0 : i32
    %scan3A_396 = arith.constant 0 : i32
    %scan3A_397 = arith.constant 50 : i32
    %scan3A_398 = arith.addi %scan3A_396, %scan3A_397 : i32
    %scan3A_399 = arith.constant 1 : i32
    %scan3A_400 = scf.for %scan3A_402 = %scan3A_396 to %scan3A_398 step %scan3A_399 iter_args(%scan3A_403 = %scan3A) -> (i32)  : i32 {
      %mul3A_404 = arith.constant 2 : i32
      %mul3A_405 = arith.muli %scan3A_402, %mul3A_404 : i32
      %add3A_406 = arith.constant 0 : i32
      %add3A_407 = arith.addi %mul3A_405, %add3A_406 : i32
      %dma_wait3A_408 = arith.constant 0 : i32
      %dma_wait3A_409 = arith.constant 0 : i32
      %dma_wait3A_410 = tpu.memref_slice %arg3[%dma_wait3A_408, %dma_wait3A_409] : memref<1015808x64xf32, #tpu.memory_space<hbm>> -> memref<1015808x64xf32, #tpu.memory_space<hbm>>
      tpu.wait_indirect_dma semaphore(%arg11 : memref<!tpu.dma_semaphore, #tpu.memory_space<semaphore_mem>>) src(%dma_wait3A_410 : memref<1015808x64xf32, #tpu.memory_space<hbm>>) dst(%arg7 : memref<256x64xf32, #tpu.memory_space<vmem>>)
      %lt3A = arith.constant 49 : i32
      %lt3A_411 = arith.cmpi slt, %scan3A_402, %lt3A : i32
      %convert_element_type3A = arith.extui %lt3A_411 : i1 to i32
      %cond3A = arith.constant 0 : i32
      %cond3A_412 = arith.cmpi ne, %convert_element_type3A, %cond3A : i32
      scf.if %cond3A_412 {
        %add3A_436 = arith.constant 2 : i32
        %add3A_437 = arith.addi %add3A_407, %add3A_436 : i32
        %mul3A_438 = arith.constant 256 : i32
        %mul3A_439 = arith.muli %add3A_437, %mul3A_438 : i32
        %add3A_440 = arith.addi %mul3A_2, %mul3A_439 : i32
        %dma_start3A_441 = tpu.memref_slice %arg2[%add3A_440] : memref<819200xi32, #tpu.memory_space<hbm>> -> memref<256xi32, #tpu.memory_space<hbm>>
        %dma_start3A_442 = tpu.memref_slice %arg2[%add3A_440] : memref<819200xi32, #tpu.memory_space<hbm>> -> memref<256xi32, #tpu.memory_space<hbm>>
        tpu.enqueue_dma source(%dma_start3A_442 : memref<256xi32, #tpu.memory_space<hbm>>) target(%arg5 : memref<256xi32, #tpu.memory_space<vmem>>) target_semaphore(%arg9 : memref<!tpu.dma_semaphore, #tpu.memory_space<semaphore_mem>>)
        %add3A_443 = arith.constant 1 : i32
        %add3A_444 = arith.addi %add3A_407, %add3A_443 : i32
        %mul3A_445 = arith.constant 256 : i32
        %mul3A_446 = arith.muli %add3A_444, %mul3A_445 : i32
        %add3A_447 = arith.addi %mul3A_2, %mul3A_446 : i32
        %dma_wait3A_448 = tpu.memref_slice %arg2[%add3A_447] : memref<819200xi32, #tpu.memory_space<hbm>> -> memref<256xi32, #tpu.memory_space<hbm>>
        %dma_wait3A_449 = tpu.memref_slice %arg2[%add3A_447] : memref<819200xi32, #tpu.memory_space<hbm>> -> memref<256xi32, #tpu.memory_space<hbm>>
        tpu.wait_dma2 semaphore(%arg10 : memref<!tpu.dma_semaphore, #tpu.memory_space<semaphore_mem>>) src(%dma_wait3A_449 : memref<256xi32, #tpu.memory_space<hbm>>) dst(%arg6 : memref<256xi32, #tpu.memory_space<vmem>>)
        %get3A_450 = arith.constant 0 : index
        %get3A_451 = tpu.vector_load %arg6[%get3A_450] {strides = array<i32>} : memref<256xi32, #tpu.memory_space<vmem>>, vector<16xi32>,
        %get3A_452 = vector.shape_cast %get3A_451 : vector<16xi32> to vector<16xi32>
        %and3A_453 = arith.constant -16384 : i32
        %and3A_454 = vector.broadcast %and3A_453 : i32 to vector<16xi32>
        %and3A_455 = arith.andi %get3A_452, %and3A_454 : vector<16xi32>
        %and3A_456 = arith.constant 8191 : i32
        %and3A_457 = vector.broadcast %and3A_456 : i32 to vector<16xi32>
        %and3A_458 = arith.andi %get3A_452, %and3A_457 : vector<16xi32>
        %mul3A_459 = arith.constant 2 : i32
        %mul3A_460 = vector.broadcast %mul3A_459 : i32 to vector<16xi32>
        %mul3A_461 = arith.muli %and3A_458, %mul3A_460 : vector<16xi32>
        %add3A_462 = arith.addi %and3A_455, %mul3A_461 : vector<16xi32>
        %shift_right_arithmetic3A_463 = arith.constant 13 : i32
        %shift_right_arithmetic3A_464 = vector.broadcast %shift_right_arithmetic3A_463 : i32 to vector<16xi32>
        %shift_right_arithmetic3A_465 = arith.shrsi %get3A_452, %shift_right_arithmetic3A_464 : vector<16xi32>
        %and3A_466 = arith.constant 1 : i32
        %and3A_467 = vector.broadcast %and3A_466 : i32 to vector<16xi32>
        %and3A_468 = arith.andi %shift_right_arithmetic3A_465, %and3A_467 : vector<16xi32>
        %add3A_469 = arith.addi %add3A_462, %and3A_468 : vector<16xi32>
        %swap3A_470 = arith.constant 0 : index
        %swap3A_471 = tpu.vector_load %arg6[%swap3A_470] {strides = array<i32>} : memref<256xi32, #tpu.memory_space<vmem>>, vector<16xi32>,
        %swap3A_472 = vector.shape_cast %swap3A_471 : vector<16xi32> to vector<16xi32>
        %swap3A_473 = vector.shape_cast %add3A_469 : vector<16xi32> to vector<16xi32>
        tpu.vector_store %arg6[%swap3A_470], %swap3A_473 {strides = array<i32>} : memref<256xi32, #tpu.memory_space<vmem>>, vector<16xi32>,
        %get3A_474 = arith.constant 16 : index
        %get3A_475 = tpu.vector_load %arg6[%get3A_474] {strides = array<i32>} : memref<256xi32, #tpu.memory_space<vmem>>, vector<16xi32>,
        %get3A_476 = vector.shape_cast %get3A_475 : vector<16xi32> to vector<16xi32>
        %and3A_477 = arith.constant -16384 : i32
        %and3A_478 = vector.broadcast %and3A_477 : i32 to vector<16xi32>
        %and3A_479 = arith.andi %get3A_476, %and3A_478 : vector<16xi32>
        %and3A_480 = arith.constant 8191 : i32
        %and3A_481 = vector.broadcast %and3A_480 : i32 to vector<16xi32>
        %and3A_482 = arith.andi %get3A_476, %and3A_481 : vector<16xi32>
        %mul3A_483 = arith.constant 2 : i32
        %mul3A_484 = vector.broadcast %mul3A_483 : i32 to vector<16xi32>
        %mul3A_485 = arith.muli %and3A_482, %mul3A_484 : vector<16xi32>
        %add3A_486 = arith.addi %and3A_479, %mul3A_485 : vector<16xi32>
        %shift_right_arithmetic3A_487 = arith.constant 13 : i32
        %shift_right_arithmetic3A_488 = vector.broadcast %shift_right_arithmetic3A_487 : i32 to vector<16xi32>
        %shift_right_arithmetic3A_489 = arith.shrsi %get3A_476, %shift_right_arithmetic3A_488 : vector<16xi32>
        %and3A_490 = arith.constant 1 : i32
        %and3A_491 = vector.broadcast %and3A_490 : i32 to vector<16xi32>
        %and3A_492 = arith.andi %shift_right_arithmetic3A_489, %and3A_491 : vector<16xi32>
        %add3A_493 = arith.addi %add3A_486, %and3A_492 : vector<16xi32>
        %swap3A_494 = arith.constant 16 : index
        %swap3A_495 = tpu.vector_load %arg6[%swap3A_494] {strides = array<i32>} : memref<256xi32, #tpu.memory_space<vmem>>, vector<16xi32>,
        %swap3A_496 = vector.shape_cast %swap3A_495 : vector<16xi32> to vector<16xi32>
        %swap3A_497 = vector.shape_cast %add3A_493 : vector<16xi32> to vector<16xi32>
        tpu.vector_store %arg6[%swap3A_494], %swap3A_497 {strides = array<i32>} : memref<256xi32, #tpu.memory_space<vmem>>, vector<16xi32>,
        %get3A_498 = arith.constant 32 : index
        %get3A_499 = tpu.vector_load %arg6[%get3A_498] {strides = array<i32>} : memref<256xi32, #tpu.memory_space<vmem>>, vector<16xi32>,
        %get3A_500 = vector.shape_cast %get3A_499 : vector<16xi32> to vector<16xi32>
        %and3A_501 = arith.constant -16384 : i32
        %and3A_502 = vector.broadcast %and3A_501 : i32 to vector<16xi32>
        %and3A_503 = arith.andi %get3A_500, %and3A_502 : vector<16xi32>
        %and3A_504 = arith.constant 8191 : i32
        %and3A_505 = vector.broadcast %and3A_504 : i32 to vector<16xi32>
        %and3A_506 = arith.andi %get3A_500, %and3A_505 : vector<16xi32>
        %mul3A_507 = arith.constant 2 : i32
        %mul3A_508 = vector.broadcast %mul3A_507 : i32 to vector<16xi32>
        %mul3A_509 = arith.muli %and3A_506, %mul3A_508 : vector<16xi32>
        %add3A_510 = arith.addi %and3A_503, %mul3A_509 : vector<16xi32>
        %shift_right_arithmetic3A_511 = arith.constant 13 : i32
        %shift_right_arithmetic3A_512 = vector.broadcast %shift_right_arithmetic3A_511 : i32 to vector<16xi32>
        %shift_right_arithmetic3A_513 = arith.shrsi %get3A_500, %shift_right_arithmetic3A_512 : vector<16xi32>
        %and3A_514 = arith.constant 1 : i32
        %and3A_515 = vector.broadcast %and3A_514 : i32 to vector<16xi32>
        %and3A_516 = arith.andi %shift_right_arithmetic3A_513, %and3A_515 : vector<16xi32>
        %add3A_517 = arith.addi %add3A_510, %and3A_516 : vector<16xi32>
        %swap3A_518 = arith.constant 32 : index
        %swap3A_519 = tpu.vector_load %arg6[%swap3A_518] {strides = array<i32>} : memref<256xi32, #tpu.memory_space<vmem>>, vector<16xi32>,
        %swap3A_520 = vector.shape_cast %swap3A_519 : vector<16xi32> to vector<16xi32>
        %swap3A_521 = vector.shape_cast %add3A_517 : vector<16xi32> to vector<16xi32>
        tpu.vector_store %arg6[%swap3A_518], %swap3A_521 {strides = array<i32>} : memref<256xi32, #tpu.memory_space<vmem>>, vector<16xi32>,
        %get3A_522 = arith.constant 48 : index
        %get3A_523 = tpu.vector_load %arg6[%get3A_522] {strides = array<i32>} : memref<256xi32, #tpu.memory_space<vmem>>, vector<16xi32>,
        %get3A_524 = vector.shape_cast %get3A_523 : vector<16xi32> to vector<16xi32>
        %and3A_525 = arith.constant -16384 : i32
        %and3A_526 = vector.broadcast %and3A_525 : i32 to vector<16xi32>
        %and3A_527 = arith.andi %get3A_524, %and3A_526 : vector<16xi32>
        %and3A_528 = arith.constant 8191 : i32
        %and3A_529 = vector.broadcast %and3A_528 : i32 to vector<16xi32>
        %and3A_530 = arith.andi %get3A_524, %and3A_529 : vector<16xi32>
        %mul3A_531 = arith.constant 2 : i32
        %mul3A_532 = vector.broadcast %mul3A_531 : i32 to vector<16xi32>
        %mul3A_533 = arith.muli %and3A_530, %mul3A_532 : vector<16xi32>
        %add3A_534 = arith.addi %and3A_527, %mul3A_533 : vector<16xi32>
        %shift_right_arithmetic3A_535 = arith.constant 13 : i32
        %shift_right_arithmetic3A_536 = vector.broadcast %shift_right_arithmetic3A_535 : i32 to vector<16xi32>
        %shift_right_arithmetic3A_537 = arith.shrsi %get3A_524, %shift_right_arithmetic3A_536 : vector<16xi32>
        %and3A_538 = arith.constant 1 : i32
        %and3A_539 = vector.broadcast %and3A_538 : i32 to vector<16xi32>
        %and3A_540 = arith.andi %shift_right_arithmetic3A_537, %and3A_539 : vector<16xi32>
        %add3A_541 = arith.addi %add3A_534, %and3A_540 : vector<16xi32>
        %swap3A_542 = arith.constant 48 : index
        %swap3A_543 = tpu.vector_load %arg6[%swap3A_542] {strides = array<i32>} : memref<256xi32, #tpu.memory_space<vmem>>, vector<16xi32>,
        %swap3A_544 = vector.shape_cast %swap3A_543 : vector<16xi32> to vector<16xi32>
        %swap3A_545 = vector.shape_cast %add3A_541 : vector<16xi32> to vector<16xi32>
        tpu.vector_store %arg6[%swap3A_542], %swap3A_545 {strides = array<i32>} : memref<256xi32, #tpu.memory_space<vmem>>, vector<16xi32>,
        %get3A_546 = arith.constant 64 : index
        %get3A_547 = tpu.vector_load %arg6[%get3A_546] {strides = array<i32>} : memref<256xi32, #tpu.memory_space<vmem>>, vector<16xi32>,
        %get3A_548 = vector.shape_cast %get3A_547 : vector<16xi32> to vector<16xi32>
        %and3A_549 = arith.constant -16384 : i32
        %and3A_550 = vector.broadcast %and3A_549 : i32 to vector<16xi32>
        %and3A_551 = arith.andi %get3A_548, %and3A_550 : vector<16xi32>
        %and3A_552 = arith.constant 8191 : i32
        %and3A_553 = vector.broadcast %and3A_552 : i32 to vector<16xi32>
        %and3A_554 = arith.andi %get3A_548, %and3A_553 : vector<16xi32>
        %mul3A_555 = arith.constant 2 : i32
        %mul3A_556 = vector.broadcast %mul3A_555 : i32 to vector<16xi32>
        %mul3A_557 = arith.muli %and3A_554, %mul3A_556 : vector<16xi32>
        %add3A_558 = arith.addi %and3A_551, %mul3A_557 : vector<16xi32>
        %shift_right_arithmetic3A_559 = arith.constant 13 : i32
        %shift_right_arithmetic3A_560 = vector.broadcast %shift_right_arithmetic3A_559 : i32 to vector<16xi32>
        %shift_right_arithmetic3A_561 = arith.shrsi %get3A_548, %shift_right_arithmetic3A_560 : vector<16xi32>
        %and3A_562 = arith.constant 1 : i32
        %and3A_563 = vector.broadcast %and3A_562 : i32 to vector<16xi32>
        %and3A_564 = arith.andi %shift_right_arithmetic3A_561, %and3A_563 : vector<16xi32>
        %add3A_565 = arith.addi %add3A_558, %and3A_564 : vector<16xi32>
        %swap3A_566 = arith.constant 64 : index
        %swap3A_567 = tpu.vector_load %arg6[%swap3A_566] {strides = array<i32>} : memref<256xi32, #tpu.memory_space<vmem>>, vector<16xi32>,
        %swap3A_568 = vector.shape_cast %swap3A_567 : vector<16xi32> to vector<16xi32>
        %swap3A_569 = vector.shape_cast %add3A_565 : vector<16xi32> to vector<16xi32>
        tpu.vector_store %arg6[%swap3A_566], %swap3A_569 {strides = array<i32>} : memref<256xi32, #tpu.memory_space<vmem>>, vector<16xi32>,
        %get3A_570 = arith.constant 80 : index
        %get3A_571 = tpu.vector_load %arg6[%get3A_570] {strides = array<i32>} : memref<256xi32, #tpu.memory_space<vmem>>, vector<16xi32>,
        %get3A_572 = vector.shape_cast %get3A_571 : vector<16xi32> to vector<16xi32>
        %and3A_573 = arith.constant -16384 : i32
        %and3A_574 = vector.broadcast %and3A_573 : i32 to vector<16xi32>
        %and3A_575 = arith.andi %get3A_572, %and3A_574 : vector<16xi32>
        %and3A_576 = arith.constant 8191 : i32
        %and3A_577 = vector.broadcast %and3A_576 : i32 to vector<16xi32>
        %and3A_578 = arith.andi %get3A_572, %and3A_577 : vector<16xi32>
        %mul3A_579 = arith.constant 2 : i32
        %mul3A_580 = vector.broadcast %mul3A_579 : i32 to vector<16xi32>
        %mul3A_581 = arith.muli %and3A_578, %mul3A_580 : vector<16xi32>
        %add3A_582 = arith.addi %and3A_575, %mul3A_581 : vector<16xi32>
        %shift_right_arithmetic3A_583 = arith.constant 13 : i32
        %shift_right_arithmetic3A_584 = vector.broadcast %shift_right_arithmetic3A_583 : i32 to vector<16xi32>
        %shift_right_arithmetic3A_585 = arith.shrsi %get3A_572, %shift_right_arithmetic3A_584 : vector<16xi32>
        %and3A_586 = arith.constant 1 : i32
        %and3A_587 = vector.broadcast %and3A_586 : i32 to vector<16xi32>
        %and3A_588 = arith.andi %shift_right_arithmetic3A_585, %and3A_587 : vector<16xi32>
        %add3A_589 = arith.addi %add3A_582, %and3A_588 : vector<16xi32>
        %swap3A_590 = arith.constant 80 : index
        %swap3A_591 = tpu.vector_load %arg6[%swap3A_590] {strides = array<i32>} : memref<256xi32, #tpu.memory_space<vmem>>, vector<16xi32>,
        %swap3A_592 = vector.shape_cast %swap3A_591 : vector<16xi32> to vector<16xi32>
        %swap3A_593 = vector.shape_cast %add3A_589 : vector<16xi32> to vector<16xi32>
        tpu.vector_store %arg6[%swap3A_590], %swap3A_593 {strides = array<i32>} : memref<256xi32, #tpu.memory_space<vmem>>, vector<16xi32>,
        %get3A_594 = arith.constant 96 : index
        %get3A_595 = tpu.vector_load %arg6[%get3A_594] {strides = array<i32>} : memref<256xi32, #tpu.memory_space<vmem>>, vector<16xi32>,
        %get3A_596 = vector.shape_cast %get3A_595 : vector<16xi32> to vector<16xi32>
        %and3A_597 = arith.constant -16384 : i32
        %and3A_598 = vector.broadcast %and3A_597 : i32 to vector<16xi32>
        %and3A_599 = arith.andi %get3A_596, %and3A_598 : vector<16xi32>
        %and3A_600 = arith.constant 8191 : i32
        %and3A_601 = vector.broadcast %and3A_600 : i32 to vector<16xi32>
        %and3A_602 = arith.andi %get3A_596, %and3A_601 : vector<16xi32>
        %mul3A_603 = arith.constant 2 : i32
        %mul3A_604 = vector.broadcast %mul3A_603 : i32 to vector<16xi32>
        %mul3A_605 = arith.muli %and3A_602, %mul3A_604 : vector<16xi32>
        %add3A_606 = arith.addi %and3A_599, %mul3A_605 : vector<16xi32>
        %shift_right_arithmetic3A_607 = arith.constant 13 : i32
        %shift_right_arithmetic3A_608 = vector.broadcast %shift_right_arithmetic3A_607 : i32 to vector<16xi32>
        %shift_right_arithmetic3A_609 = arith.shrsi %get3A_596, %shift_right_arithmetic3A_608 : vector<16xi32>
        %and3A_610 = arith.constant 1 : i32
        %and3A_611 = vector.broadcast %and3A_610 : i32 to vector<16xi32>
        %and3A_612 = arith.andi %shift_right_arithmetic3A_609, %and3A_611 : vector<16xi32>
        %add3A_613 = arith.addi %add3A_606, %and3A_612 : vector<16xi32>
        %swap3A_614 = arith.constant 96 : index
        %swap3A_615 = tpu.vector_load %arg6[%swap3A_614] {strides = array<i32>} : memref<256xi32, #tpu.memory_space<vmem>>, vector<16xi32>,
        %swap3A_616 = vector.shape_cast %swap3A_615 : vector<16xi32> to vector<16xi32>
        %swap3A_617 = vector.shape_cast %add3A_613 : vector<16xi32> to vector<16xi32>
        tpu.vector_store %arg6[%swap3A_614], %swap3A_617 {strides = array<i32>} : memref<256xi32, #tpu.memory_space<vmem>>, vector<16xi32>,
        %get3A_618 = arith.constant 112 : index
        %get3A_619 = tpu.vector_load %arg6[%get3A_618] {strides = array<i32>} : memref<256xi32, #tpu.memory_space<vmem>>, vector<16xi32>,
        %get3A_620 = vector.shape_cast %get3A_619 : vector<16xi32> to vector<16xi32>
        %and3A_621 = arith.constant -16384 : i32
        %and3A_622 = vector.broadcast %and3A_621 : i32 to vector<16xi32>
        %and3A_623 = arith.andi %get3A_620, %and3A_622 : vector<16xi32>
        %and3A_624 = arith.constant 8191 : i32
        %and3A_625 = vector.broadcast %and3A_624 : i32 to vector<16xi32>
        %and3A_626 = arith.andi %get3A_620, %and3A_625 : vector<16xi32>
        %mul3A_627 = arith.constant 2 : i32
        %mul3A_628 = vector.broadcast %mul3A_627 : i32 to vector<16xi32>
        %mul3A_629 = arith.muli %and3A_626, %mul3A_628 : vector<16xi32>
        %add3A_630 = arith.addi %and3A_623, %mul3A_629 : vector<16xi32>
        %shift_right_arithmetic3A_631 = arith.constant 13 : i32
        %shift_right_arithmetic3A_632 = vector.broadcast %shift_right_arithmetic3A_631 : i32 to vector<16xi32>
        %shift_right_arithmetic3A_633 = arith.shrsi %get3A_620, %shift_right_arithmetic3A_632 : vector<16xi32>
        %and3A_634 = arith.constant 1 : i32
        %and3A_635 = vector.broadcast %and3A_634 : i32 to vector<16xi32>
        %and3A_636 = arith.andi %shift_right_arithmetic3A_633, %and3A_635 : vector<16xi32>
        %add3A_637 = arith.addi %add3A_630, %and3A_636 : vector<16xi32>
        %swap3A_638 = arith.constant 112 : index
        %swap3A_639 = tpu.vector_load %arg6[%swap3A_638] {strides = array<i32>} : memref<256xi32, #tpu.memory_space<vmem>>, vector<16xi32>,
        %swap3A_640 = vector.shape_cast %swap3A_639 : vector<16xi32> to vector<16xi32>
        %swap3A_641 = vector.shape_cast %add3A_637 : vector<16xi32> to vector<16xi32>
        tpu.vector_store %arg6[%swap3A_638], %swap3A_641 {strides = array<i32>} : memref<256xi32, #tpu.memory_space<vmem>>, vector<16xi32>,
        %get3A_642 = arith.constant 128 : index
        %get3A_643 = tpu.vector_load %arg6[%get3A_642] {strides = array<i32>} : memref<256xi32, #tpu.memory_space<vmem>>, vector<16xi32>,
        %get3A_644 = vector.shape_cast %get3A_643 : vector<16xi32> to vector<16xi32>
        %and3A_645 = arith.constant -16384 : i32
        %and3A_646 = vector.broadcast %and3A_645 : i32 to vector<16xi32>
        %and3A_647 = arith.andi %get3A_644, %and3A_646 : vector<16xi32>
        %and3A_648 = arith.constant 8191 : i32
        %and3A_649 = vector.broadcast %and3A_648 : i32 to vector<16xi32>
        %and3A_650 = arith.andi %get3A_644, %and3A_649 : vector<16xi32>
        %mul3A_651 = arith.constant 2 : i32
        %mul3A_652 = vector.broadcast %mul3A_651 : i32 to vector<16xi32>
        %mul3A_653 = arith.muli %and3A_650, %mul3A_652 : vector<16xi32>
        %add3A_654 = arith.addi %and3A_647, %mul3A_653 : vector<16xi32>
        %shift_right_arithmetic3A_655 = arith.constant 13 : i32
        %shift_right_arithmetic3A_656 = vector.broadcast %shift_right_arithmetic3A_655 : i32 to vector<16xi32>
        %shift_right_arithmetic3A_657 = arith.shrsi %get3A_644, %shift_right_arithmetic3A_656 : vector<16xi32>
        %and3A_658 = arith.constant 1 : i32
        %and3A_659 = vector.broadcast %and3A_658 : i32 to vector<16xi32>
        %and3A_660 = arith.andi %shift_right_arithmetic3A_657, %and3A_659 : vector<16xi32>
        %add3A_661 = arith.addi %add3A_654, %and3A_660 : vector<16xi32>
        %swap3A_662 = arith.constant 128 : index
        %swap3A_663 = tpu.vector_load %arg6[%swap3A_662] {strides = array<i32>} : memref<256xi32, #tpu.memory_space<vmem>>, vector<16xi32>,
        %swap3A_664 = vector.shape_cast %swap3A_663 : vector<16xi32> to vector<16xi32>
        %swap3A_665 = vector.shape_cast %add3A_661 : vector<16xi32> to vector<16xi32>
        tpu.vector_store %arg6[%swap3A_662], %swap3A_665 {strides = array<i32>} : memref<256xi32, #tpu.memory_space<vmem>>, vector<16xi32>,
        %get3A_666 = arith.constant 144 : index
        %get3A_667 = tpu.vector_load %arg6[%get3A_666] {strides = array<i32>} : memref<256xi32, #tpu.memory_space<vmem>>, vector<16xi32>,
        %get3A_668 = vector.shape_cast %get3A_667 : vector<16xi32> to vector<16xi32>
        %and3A_669 = arith.constant -16384 : i32
        %and3A_670 = vector.broadcast %and3A_669 : i32 to vector<16xi32>
        %and3A_671 = arith.andi %get3A_668, %and3A_670 : vector<16xi32>
        %and3A_672 = arith.constant 8191 : i32
        %and3A_673 = vector.broadcast %and3A_672 : i32 to vector<16xi32>
        %and3A_674 = arith.andi %get3A_668, %and3A_673 : vector<16xi32>
        %mul3A_675 = arith.constant 2 : i32
        %mul3A_676 = vector.broadcast %mul3A_675 : i32 to vector<16xi32>
        %mul3A_677 = arith.muli %and3A_674, %mul3A_676 : vector<16xi32>
        %add3A_678 = arith.addi %and3A_671, %mul3A_677 : vector<16xi32>
        %shift_right_arithmetic3A_679 = arith.constant 13 : i32
        %shift_right_arithmetic3A_680 = vector.broadcast %shift_right_arithmetic3A_679 : i32 to vector<16xi32>
        %shift_right_arithmetic3A_681 = arith.shrsi %get3A_668, %shift_right_arithmetic3A_680 : vector<16xi32>
        %and3A_682 = arith.constant 1 : i32
        %and3A_683 = vector.broadcast %and3A_682 : i32 to vector<16xi32>
        %and3A_684 = arith.andi %shift_right_arithmetic3A_681, %and3A_683 : vector<16xi32>
        %add3A_685 = arith.addi %add3A_678, %and3A_684 : vector<16xi32>
        %swap3A_686 = arith.constant 144 : index
        %swap3A_687 = tpu.vector_load %arg6[%swap3A_686] {strides = array<i32>} : memref<256xi32, #tpu.memory_space<vmem>>, vector<16xi32>,
        %swap3A_688 = vector.shape_cast %swap3A_687 : vector<16xi32> to vector<16xi32>
        %swap3A_689 = vector.shape_cast %add3A_685 : vector<16xi32> to vector<16xi32>
        tpu.vector_store %arg6[%swap3A_686], %swap3A_689 {strides = array<i32>} : memref<256xi32, #tpu.memory_space<vmem>>, vector<16xi32>,
        %get3A_690 = arith.constant 160 : index
        %get3A_691 = tpu.vector_load %arg6[%get3A_690] {strides = array<i32>} : memref<256xi32, #tpu.memory_space<vmem>>, vector<16xi32>,
        %get3A_692 = vector.shape_cast %get3A_691 : vector<16xi32> to vector<16xi32>
        %and3A_693 = arith.constant -16384 : i32
        %and3A_694 = vector.broadcast %and3A_693 : i32 to vector<16xi32>
        %and3A_695 = arith.andi %get3A_692, %and3A_694 : vector<16xi32>
        %and3A_696 = arith.constant 8191 : i32
        %and3A_697 = vector.broadcast %and3A_696 : i32 to vector<16xi32>
        %and3A_698 = arith.andi %get3A_692, %and3A_697 : vector<16xi32>
        %mul3A_699 = arith.constant 2 : i32
        %mul3A_700 = vector.broadcast %mul3A_699 : i32 to vector<16xi32>
        %mul3A_701 = arith.muli %and3A_698, %mul3A_700 : vector<16xi32>
        %add3A_702 = arith.addi %and3A_695, %mul3A_701 : vector<16xi32>
        %shift_right_arithmetic3A_703 = arith.constant 13 : i32
        %shift_right_arithmetic3A_704 = vector.broadcast %shift_right_arithmetic3A_703 : i32 to vector<16xi32>
        %shift_right_arithmetic3A_705 = arith.shrsi %get3A_692, %shift_right_arithmetic3A_704 : vector<16xi32>
        %and3A_706 = arith.constant 1 : i32
        %and3A_707 = vector.broadcast %and3A_706 : i32 to vector<16xi32>
        %and3A_708 = arith.andi %shift_right_arithmetic3A_705, %and3A_707 : vector<16xi32>
        %add3A_709 = arith.addi %add3A_702, %and3A_708 : vector<16xi32>
        %swap3A_710 = arith.constant 160 : index
        %swap3A_711 = tpu.vector_load %arg6[%swap3A_710] {strides = array<i32>} : memref<256xi32, #tpu.memory_space<vmem>>, vector<16xi32>,
        %swap3A_712 = vector.shape_cast %swap3A_711 : vector<16xi32> to vector<16xi32>
        %swap3A_713 = vector.shape_cast %add3A_709 : vector<16xi32> to vector<16xi32>
        tpu.vector_store %arg6[%swap3A_710], %swap3A_713 {strides = array<i32>} : memref<256xi32, #tpu.memory_space<vmem>>, vector<16xi32>,
        %get3A_714 = arith.constant 176 : index
        %get3A_715 = tpu.vector_load %arg6[%get3A_714] {strides = array<i32>} : memref<256xi32, #tpu.memory_space<vmem>>, vector<16xi32>,
        %get3A_716 = vector.shape_cast %get3A_715 : vector<16xi32> to vector<16xi32>
        %and3A_717 = arith.constant -16384 : i32
        %and3A_718 = vector.broadcast %and3A_717 : i32 to vector<16xi32>
        %and3A_719 = arith.andi %get3A_716, %and3A_718 : vector<16xi32>
        %and3A_720 = arith.constant 8191 : i32
        %and3A_721 = vector.broadcast %and3A_720 : i32 to vector<16xi32>
        %and3A_722 = arith.andi %get3A_716, %and3A_721 : vector<16xi32>
        %mul3A_723 = arith.constant 2 : i32
        %mul3A_724 = vector.broadcast %mul3A_723 : i32 to vector<16xi32>
        %mul3A_725 = arith.muli %and3A_722, %mul3A_724 : vector<16xi32>
        %add3A_726 = arith.addi %and3A_719, %mul3A_725 : vector<16xi32>
        %shift_right_arithmetic3A_727 = arith.constant 13 : i32
        %shift_right_arithmetic3A_728 = vector.broadcast %shift_right_arithmetic3A_727 : i32 to vector<16xi32>
        %shift_right_arithmetic3A_729 = arith.shrsi %get3A_716, %shift_right_arithmetic3A_728 : vector<16xi32>
        %and3A_730 = arith.constant 1 : i32
        %and3A_731 = vector.broadcast %and3A_730 : i32 to vector<16xi32>
        %and3A_732 = arith.andi %shift_right_arithmetic3A_729, %and3A_731 : vector<16xi32>
        %add3A_733 = arith.addi %add3A_726, %and3A_732 : vector<16xi32>
        %swap3A_734 = arith.constant 176 : index
        %swap3A_735 = tpu.vector_load %arg6[%swap3A_734] {strides = array<i32>} : memref<256xi32, #tpu.memory_space<vmem>>, vector<16xi32>,
        %swap3A_736 = vector.shape_cast %swap3A_735 : vector<16xi32> to vector<16xi32>
        %swap3A_737 = vector.shape_cast %add3A_733 : vector<16xi32> to vector<16xi32>
        tpu.vector_store %arg6[%swap3A_734], %swap3A_737 {strides = array<i32>} : memref<256xi32, #tpu.memory_space<vmem>>, vector<16xi32>,
        %get3A_738 = arith.constant 192 : index
        %get3A_739 = tpu.vector_load %arg6[%get3A_738] {strides = array<i32>} : memref<256xi32, #tpu.memory_space<vmem>>, vector<16xi32>,
        %get3A_740 = vector.shape_cast %get3A_739 : vector<16xi32> to vector<16xi32>
        %and3A_741 = arith.constant -16384 : i32
        %and3A_742 = vector.broadcast %and3A_741 : i32 to vector<16xi32>
        %and3A_743 = arith.andi %get3A_740, %and3A_742 : vector<16xi32>
        %and3A_744 = arith.constant 8191 : i32
        %and3A_745 = vector.broadcast %and3A_744 : i32 to vector<16xi32>
        %and3A_746 = arith.andi %get3A_740, %and3A_745 : vector<16xi32>
        %mul3A_747 = arith.constant 2 : i32
        %mul3A_748 = vector.broadcast %mul3A_747 : i32 to vector<16xi32>
        %mul3A_749 = arith.muli %and3A_746, %mul3A_748 : vector<16xi32>
        %add3A_750 = arith.addi %and3A_743, %mul3A_749 : vector<16xi32>
        %shift_right_arithmetic3A_751 = arith.constant 13 : i32
        %shift_right_arithmetic3A_752 = vector.broadcast %shift_right_arithmetic3A_751 : i32 to vector<16xi32>
        %shift_right_arithmetic3A_753 = arith.shrsi %get3A_740, %shift_right_arithmetic3A_752 : vector<16xi32>
        %and3A_754 = arith.constant 1 : i32
        %and3A_755 = vector.broadcast %and3A_754 : i32 to vector<16xi32>
        %and3A_756 = arith.andi %shift_right_arithmetic3A_753, %and3A_755 : vector<16xi32>
        %add3A_757 = arith.addi %add3A_750, %and3A_756 : vector<16xi32>
        %swap3A_758 = arith.constant 192 : index
        %swap3A_759 = tpu.vector_load %arg6[%swap3A_758] {strides = array<i32>} : memref<256xi32, #tpu.memory_space<vmem>>, vector<16xi32>,
        %swap3A_760 = vector.shape_cast %swap3A_759 : vector<16xi32> to vector<16xi32>
        %swap3A_761 = vector.shape_cast %add3A_757 : vector<16xi32> to vector<16xi32>
        tpu.vector_store %arg6[%swap3A_758], %swap3A_761 {strides = array<i32>} : memref<256xi32, #tpu.memory_space<vmem>>, vector<16xi32>,
        %get3A_762 = arith.constant 208 : index
        %get3A_763 = tpu.vector_load %arg6[%get3A_762] {strides = array<i32>} : memref<256xi32, #tpu.memory_space<vmem>>, vector<16xi32>,
        %get3A_764 = vector.shape_cast %get3A_763 : vector<16xi32> to vector<16xi32>
        %and3A_765 = arith.constant -16384 : i32
        %and3A_766 = vector.broadcast %and3A_765 : i32 to vector<16xi32>
        %and3A_767 = arith.andi %get3A_764, %and3A_766 : vector<16xi32>
        %and3A_768 = arith.constant 8191 : i32
        %and3A_769 = vector.broadcast %and3A_768 : i32 to vector<16xi32>
        %and3A_770 = arith.andi %get3A_764, %and3A_769 : vector<16xi32>
        %mul3A_771 = arith.constant 2 : i32
        %mul3A_772 = vector.broadcast %mul3A_771 : i32 to vector<16xi32>
        %mul3A_773 = arith.muli %and3A_770, %mul3A_772 : vector<16xi32>
        %add3A_774 = arith.addi %and3A_767, %mul3A_773 : vector<16xi32>
        %shift_right_arithmetic3A_775 = arith.constant 13 : i32
        %shift_right_arithmetic3A_776 = vector.broadcast %shift_right_arithmetic3A_775 : i32 to vector<16xi32>
        %shift_right_arithmetic3A_777 = arith.shrsi %get3A_764, %shift_right_arithmetic3A_776 : vector<16xi32>
        %and3A_778 = arith.constant 1 : i32
        %and3A_779 = vector.broadcast %and3A_778 : i32 to vector<16xi32>
        %and3A_780 = arith.andi %shift_right_arithmetic3A_777, %and3A_779 : vector<16xi32>
        %add3A_781 = arith.addi %add3A_774, %and3A_780 : vector<16xi32>
        %swap3A_782 = arith.constant 208 : index
        %swap3A_783 = tpu.vector_load %arg6[%swap3A_782] {strides = array<i32>} : memref<256xi32, #tpu.memory_space<vmem>>, vector<16xi32>,
        %swap3A_784 = vector.shape_cast %swap3A_783 : vector<16xi32> to vector<16xi32>
        %swap3A_785 = vector.shape_cast %add3A_781 : vector<16xi32> to vector<16xi32>
        tpu.vector_store %arg6[%swap3A_782], %swap3A_785 {strides = array<i32>} : memref<256xi32, #tpu.memory_space<vmem>>, vector<16xi32>,
        %get3A_786 = arith.constant 224 : index
        %get3A_787 = tpu.vector_load %arg6[%get3A_786] {strides = array<i32>} : memref<256xi32, #tpu.memory_space<vmem>>, vector<16xi32>,
        %get3A_788 = vector.shape_cast %get3A_787 : vector<16xi32> to vector<16xi32>
        %and3A_789 = arith.constant -16384 : i32
        %and3A_790 = vector.broadcast %and3A_789 : i32 to vector<16xi32>
        %and3A_791 = arith.andi %get3A_788, %and3A_790 : vector<16xi32>
        %and3A_792 = arith.constant 8191 : i32
        %and3A_793 = vector.broadcast %and3A_792 : i32 to vector<16xi32>
        %and3A_794 = arith.andi %get3A_788, %and3A_793 : vector<16xi32>
        %mul3A_795 = arith.constant 2 : i32
        %mul3A_796 = vector.broadcast %mul3A_795 : i32 to vector<16xi32>
        %mul3A_797 = arith.muli %and3A_794, %mul3A_796 : vector<16xi32>
        %add3A_798 = arith.addi %and3A_791, %mul3A_797 : vector<16xi32>
        %shift_right_arithmetic3A_799 = arith.constant 13 : i32
        %shift_right_arithmetic3A_800 = vector.broadcast %shift_right_arithmetic3A_799 : i32 to vector<16xi32>
        %shift_right_arithmetic3A_801 = arith.shrsi %get3A_788, %shift_right_arithmetic3A_800 : vector<16xi32>
        %and3A_802 = arith.constant 1 : i32
        %and3A_803 = vector.broadcast %and3A_802 : i32 to vector<16xi32>
        %and3A_804 = arith.andi %shift_right_arithmetic3A_801, %and3A_803 : vector<16xi32>
        %add3A_805 = arith.addi %add3A_798, %and3A_804 : vector<16xi32>
        %swap3A_806 = arith.constant 224 : index
        %swap3A_807 = tpu.vector_load %arg6[%swap3A_806] {strides = array<i32>} : memref<256xi32, #tpu.memory_space<vmem>>, vector<16xi32>,
        %swap3A_808 = vector.shape_cast %swap3A_807 : vector<16xi32> to vector<16xi32>
        %swap3A_809 = vector.shape_cast %add3A_805 : vector<16xi32> to vector<16xi32>
        tpu.vector_store %arg6[%swap3A_806], %swap3A_809 {strides = array<i32>} : memref<256xi32, #tpu.memory_space<vmem>>, vector<16xi32>,
        %get3A_810 = arith.constant 240 : index
        %get3A_811 = tpu.vector_load %arg6[%get3A_810] {strides = array<i32>} : memref<256xi32, #tpu.memory_space<vmem>>, vector<16xi32>,
        %get3A_812 = vector.shape_cast %get3A_811 : vector<16xi32> to vector<16xi32>
        %and3A_813 = arith.constant -16384 : i32
        %and3A_814 = vector.broadcast %and3A_813 : i32 to vector<16xi32>
        %and3A_815 = arith.andi %get3A_812, %and3A_814 : vector<16xi32>
        %and3A_816 = arith.constant 8191 : i32
        %and3A_817 = vector.broadcast %and3A_816 : i32 to vector<16xi32>
        %and3A_818 = arith.andi %get3A_812, %and3A_817 : vector<16xi32>
        %mul3A_819 = arith.constant 2 : i32
        %mul3A_820 = vector.broadcast %mul3A_819 : i32 to vector<16xi32>
        %mul3A_821 = arith.muli %and3A_818, %mul3A_820 : vector<16xi32>
        %add3A_822 = arith.addi %and3A_815, %mul3A_821 : vector<16xi32>
        %shift_right_arithmetic3A_823 = arith.constant 13 : i32
        %shift_right_arithmetic3A_824 = vector.broadcast %shift_right_arithmetic3A_823 : i32 to vector<16xi32>
        %shift_right_arithmetic3A_825 = arith.shrsi %get3A_812, %shift_right_arithmetic3A_824 : vector<16xi32>
        %and3A_826 = arith.constant 1 : i32
        %and3A_827 = vector.broadcast %and3A_826 : i32 to vector<16xi32>
        %and3A_828 = arith.andi %shift_right_arithmetic3A_825, %and3A_827 : vector<16xi32>
        %add3A_829 = arith.addi %add3A_822, %and3A_828 : vector<16xi32>
        %swap3A_830 = arith.constant 240 : index
        %swap3A_831 = tpu.vector_load %arg6[%swap3A_830] {strides = array<i32>} : memref<256xi32, #tpu.memory_space<vmem>>, vector<16xi32>,
        %swap3A_832 = vector.shape_cast %swap3A_831 : vector<16xi32> to vector<16xi32>
        %swap3A_833 = vector.shape_cast %add3A_829 : vector<16xi32> to vector<16xi32>
        tpu.vector_store %arg6[%swap3A_830], %swap3A_833 {strides = array<i32>} : memref<256xi32, #tpu.memory_space<vmem>>, vector<16xi32>,
        %dma_start3A_834 = arith.constant 0 : i32
        %dma_start3A_835 = arith.constant 0 : i32
        %dma_start3A_836 = tpu.memref_slice %arg3[%dma_start3A_834, %dma_start3A_835] : memref<1015808x64xf32, #tpu.memory_space<hbm>> -> memref<1015808x64xf32, #tpu.memory_space<hbm>>
        tpu.enqueue_indirect_dma source(%dma_start3A_836 : memref<1015808x64xf32, #tpu.memory_space<hbm>>) target(%arg8 : memref<256x64xf32, #tpu.memory_space<vmem>>) offsets(%arg6 : memref<256xi32, #tpu.memory_space<vmem>>) semaphore(%arg12 : memref<!tpu.dma_semaphore, #tpu.memory_space<semaphore_mem>>)
      } else {
      }
      %eq3A = arith.constant 49 : i32
      %eq3A_413 = arith.cmpi eq, %scan3A_402, %eq3A : i32
      %convert_element_type3A_414 = arith.extui %eq3A_413 : i1 to i32
      %cond3A_415 = arith.constant 0 : i32
      %cond3A_416 = arith.cmpi ne, %convert_element_type3A_414, %cond3A_415 : i32
      scf.if %cond3A_416 {
        %add3A_436 = arith.constant 1 : i32
        %add3A_437 = arith.addi %add3A_407, %add3A_436 : i32
        %mul3A_438 = arith.constant 256 : i32
        %mul3A_439 = arith.muli %add3A_437, %mul3A_438 : i32
        %add3A_440 = arith.addi %mul3A_2, %mul3A_439 : i32
        %dma_wait3A_441 = tpu.memref_slice %arg2[%add3A_440] : memref<819200xi32, #tpu.memory_space<hbm>> -> memref<256xi32, #tpu.memory_space<hbm>>
        %dma_wait3A_442 = tpu.memref_slice %arg2[%add3A_440] : memref<819200xi32, #tpu.memory_space<hbm>> -> memref<256xi32, #tpu.memory_space<hbm>>
        tpu.wait_dma2 semaphore(%arg10 : memref<!tpu.dma_semaphore, #tpu.memory_space<semaphore_mem>>) src(%dma_wait3A_442 : memref<256xi32, #tpu.memory_space<hbm>>) dst(%arg6 : memref<256xi32, #tpu.memory_space<vmem>>)
        %get3A_443 = arith.constant 0 : index
        %get3A_444 = tpu.vector_load %arg6[%get3A_443] {strides = array<i32>} : memref<256xi32, #tpu.memory_space<vmem>>, vector<16xi32>,
        %get3A_445 = vector.shape_cast %get3A_444 : vector<16xi32> to vector<16xi32>
        %and3A_446 = arith.constant -16384 : i32
        %and3A_447 = vector.broadcast %and3A_446 : i32 to vector<16xi32>
        %and3A_448 = arith.andi %get3A_445, %and3A_447 : vector<16xi32>
        %and3A_449 = arith.constant 8191 : i32
        %and3A_450 = vector.broadcast %and3A_449 : i32 to vector<16xi32>
        %and3A_451 = arith.andi %get3A_445, %and3A_450 : vector<16xi32>
        %mul3A_452 = arith.constant 2 : i32
        %mul3A_453 = vector.broadcast %mul3A_452 : i32 to vector<16xi32>
        %mul3A_454 = arith.muli %and3A_451, %mul3A_453 : vector<16xi32>
        %add3A_455 = arith.addi %and3A_448, %mul3A_454 : vector<16xi32>
        %shift_right_arithmetic3A_456 = arith.constant 13 : i32
        %shift_right_arithmetic3A_457 = vector.broadcast %shift_right_arithmetic3A_456 : i32 to vector<16xi32>
        %shift_right_arithmetic3A_458 = arith.shrsi %get3A_445, %shift_right_arithmetic3A_457 : vector<16xi32>
        %and3A_459 = arith.constant 1 : i32
        %and3A_460 = vector.broadcast %and3A_459 : i32 to vector<16xi32>
        %and3A_461 = arith.andi %shift_right_arithmetic3A_458, %and3A_460 : vector<16xi32>
        %add3A_462 = arith.addi %add3A_455, %and3A_461 : vector<16xi32>
        %swap3A_463 = arith.constant 0 : index
        %swap3A_464 = tpu.vector_load %arg6[%swap3A_463] {strides = array<i32>} : memref<256xi32, #tpu.memory_space<vmem>>, vector<16xi32>,
        %swap3A_465 = vector.shape_cast %swap3A_464 : vector<16xi32> to vector<16xi32>
        %swap3A_466 = vector.shape_cast %add3A_462 : vector<16xi32> to vector<16xi32>
        tpu.vector_store %arg6[%swap3A_463], %swap3A_466 {strides = array<i32>} : memref<256xi32, #tpu.memory_space<vmem>>, vector<16xi32>,
        %get3A_467 = arith.constant 16 : index
        %get3A_468 = tpu.vector_load %arg6[%get3A_467] {strides = array<i32>} : memref<256xi32, #tpu.memory_space<vmem>>, vector<16xi32>,
        %get3A_469 = vector.shape_cast %get3A_468 : vector<16xi32> to vector<16xi32>
        %and3A_470 = arith.constant -16384 : i32
        %and3A_471 = vector.broadcast %and3A_470 : i32 to vector<16xi32>
        %and3A_472 = arith.andi %get3A_469, %and3A_471 : vector<16xi32>
        %and3A_473 = arith.constant 8191 : i32
        %and3A_474 = vector.broadcast %and3A_473 : i32 to vector<16xi32>
        %and3A_475 = arith.andi %get3A_469, %and3A_474 : vector<16xi32>
        %mul3A_476 = arith.constant 2 : i32
        %mul3A_477 = vector.broadcast %mul3A_476 : i32 to vector<16xi32>
        %mul3A_478 = arith.muli %and3A_475, %mul3A_477 : vector<16xi32>
        %add3A_479 = arith.addi %and3A_472, %mul3A_478 : vector<16xi32>
        %shift_right_arithmetic3A_480 = arith.constant 13 : i32
        %shift_right_arithmetic3A_481 = vector.broadcast %shift_right_arithmetic3A_480 : i32 to vector<16xi32>
        %shift_right_arithmetic3A_482 = arith.shrsi %get3A_469, %shift_right_arithmetic3A_481 : vector<16xi32>
        %and3A_483 = arith.constant 1 : i32
        %and3A_484 = vector.broadcast %and3A_483 : i32 to vector<16xi32>
        %and3A_485 = arith.andi %shift_right_arithmetic3A_482, %and3A_484 : vector<16xi32>
        %add3A_486 = arith.addi %add3A_479, %and3A_485 : vector<16xi32>
        %swap3A_487 = arith.constant 16 : index
        %swap3A_488 = tpu.vector_load %arg6[%swap3A_487] {strides = array<i32>} : memref<256xi32, #tpu.memory_space<vmem>>, vector<16xi32>,
        %swap3A_489 = vector.shape_cast %swap3A_488 : vector<16xi32> to vector<16xi32>
        %swap3A_490 = vector.shape_cast %add3A_486 : vector<16xi32> to vector<16xi32>
        tpu.vector_store %arg6[%swap3A_487], %swap3A_490 {strides = array<i32>} : memref<256xi32, #tpu.memory_space<vmem>>, vector<16xi32>,
        %get3A_491 = arith.constant 32 : index
        %get3A_492 = tpu.vector_load %arg6[%get3A_491] {strides = array<i32>} : memref<256xi32, #tpu.memory_space<vmem>>, vector<16xi32>,
        %get3A_493 = vector.shape_cast %get3A_492 : vector<16xi32> to vector<16xi32>
        %and3A_494 = arith.constant -16384 : i32
        %and3A_495 = vector.broadcast %and3A_494 : i32 to vector<16xi32>
        %and3A_496 = arith.andi %get3A_493, %and3A_495 : vector<16xi32>
        %and3A_497 = arith.constant 8191 : i32
        %and3A_498 = vector.broadcast %and3A_497 : i32 to vector<16xi32>
        %and3A_499 = arith.andi %get3A_493, %and3A_498 : vector<16xi32>
        %mul3A_500 = arith.constant 2 : i32
        %mul3A_501 = vector.broadcast %mul3A_500 : i32 to vector<16xi32>
        %mul3A_502 = arith.muli %and3A_499, %mul3A_501 : vector<16xi32>
        %add3A_503 = arith.addi %and3A_496, %mul3A_502 : vector<16xi32>
        %shift_right_arithmetic3A_504 = arith.constant 13 : i32
        %shift_right_arithmetic3A_505 = vector.broadcast %shift_right_arithmetic3A_504 : i32 to vector<16xi32>
        %shift_right_arithmetic3A_506 = arith.shrsi %get3A_493, %shift_right_arithmetic3A_505 : vector<16xi32>
        %and3A_507 = arith.constant 1 : i32
        %and3A_508 = vector.broadcast %and3A_507 : i32 to vector<16xi32>
        %and3A_509 = arith.andi %shift_right_arithmetic3A_506, %and3A_508 : vector<16xi32>
        %add3A_510 = arith.addi %add3A_503, %and3A_509 : vector<16xi32>
        %swap3A_511 = arith.constant 32 : index
        %swap3A_512 = tpu.vector_load %arg6[%swap3A_511] {strides = array<i32>} : memref<256xi32, #tpu.memory_space<vmem>>, vector<16xi32>,
        %swap3A_513 = vector.shape_cast %swap3A_512 : vector<16xi32> to vector<16xi32>
        %swap3A_514 = vector.shape_cast %add3A_510 : vector<16xi32> to vector<16xi32>
        tpu.vector_store %arg6[%swap3A_511], %swap3A_514 {strides = array<i32>} : memref<256xi32, #tpu.memory_space<vmem>>, vector<16xi32>,
        %get3A_515 = arith.constant 48 : index
        %get3A_516 = tpu.vector_load %arg6[%get3A_515] {strides = array<i32>} : memref<256xi32, #tpu.memory_space<vmem>>, vector<16xi32>,
        %get3A_517 = vector.shape_cast %get3A_516 : vector<16xi32> to vector<16xi32>
        %and3A_518 = arith.constant -16384 : i32
        %and3A_519 = vector.broadcast %and3A_518 : i32 to vector<16xi32>
        %and3A_520 = arith.andi %get3A_517, %and3A_519 : vector<16xi32>
        %and3A_521 = arith.constant 8191 : i32
        %and3A_522 = vector.broadcast %and3A_521 : i32 to vector<16xi32>
        %and3A_523 = arith.andi %get3A_517, %and3A_522 : vector<16xi32>
        %mul3A_524 = arith.constant 2 : i32
        %mul3A_525 = vector.broadcast %mul3A_524 : i32 to vector<16xi32>
        %mul3A_526 = arith.muli %and3A_523, %mul3A_525 : vector<16xi32>
        %add3A_527 = arith.addi %and3A_520, %mul3A_526 : vector<16xi32>
        %shift_right_arithmetic3A_528 = arith.constant 13 : i32
        %shift_right_arithmetic3A_529 = vector.broadcast %shift_right_arithmetic3A_528 : i32 to vector<16xi32>
        %shift_right_arithmetic3A_530 = arith.shrsi %get3A_517, %shift_right_arithmetic3A_529 : vector<16xi32>
        %and3A_531 = arith.constant 1 : i32
        %and3A_532 = vector.broadcast %and3A_531 : i32 to vector<16xi32>
        %and3A_533 = arith.andi %shift_right_arithmetic3A_530, %and3A_532 : vector<16xi32>
        %add3A_534 = arith.addi %add3A_527, %and3A_533 : vector<16xi32>
        %swap3A_535 = arith.constant 48 : index
        %swap3A_536 = tpu.vector_load %arg6[%swap3A_535] {strides = array<i32>} : memref<256xi32, #tpu.memory_space<vmem>>, vector<16xi32>,
        %swap3A_537 = vector.shape_cast %swap3A_536 : vector<16xi32> to vector<16xi32>
        %swap3A_538 = vector.shape_cast %add3A_534 : vector<16xi32> to vector<16xi32>
        tpu.vector_store %arg6[%swap3A_535], %swap3A_538 {strides = array<i32>} : memref<256xi32, #tpu.memory_space<vmem>>, vector<16xi32>,
        %get3A_539 = arith.constant 64 : index
        %get3A_540 = tpu.vector_load %arg6[%get3A_539] {strides = array<i32>} : memref<256xi32, #tpu.memory_space<vmem>>, vector<16xi32>,
        %get3A_541 = vector.shape_cast %get3A_540 : vector<16xi32> to vector<16xi32>
        %and3A_542 = arith.constant -16384 : i32
        %and3A_543 = vector.broadcast %and3A_542 : i32 to vector<16xi32>
        %and3A_544 = arith.andi %get3A_541, %and3A_543 : vector<16xi32>
        %and3A_545 = arith.constant 8191 : i32
        %and3A_546 = vector.broadcast %and3A_545 : i32 to vector<16xi32>
        %and3A_547 = arith.andi %get3A_541, %and3A_546 : vector<16xi32>
        %mul3A_548 = arith.constant 2 : i32
        %mul3A_549 = vector.broadcast %mul3A_548 : i32 to vector<16xi32>
        %mul3A_550 = arith.muli %and3A_547, %mul3A_549 : vector<16xi32>
        %add3A_551 = arith.addi %and3A_544, %mul3A_550 : vector<16xi32>
        %shift_right_arithmetic3A_552 = arith.constant 13 : i32
        %shift_right_arithmetic3A_553 = vector.broadcast %shift_right_arithmetic3A_552 : i32 to vector<16xi32>
        %shift_right_arithmetic3A_554 = arith.shrsi %get3A_541, %shift_right_arithmetic3A_553 : vector<16xi32>
        %and3A_555 = arith.constant 1 : i32
        %and3A_556 = vector.broadcast %and3A_555 : i32 to vector<16xi32>
        %and3A_557 = arith.andi %shift_right_arithmetic3A_554, %and3A_556 : vector<16xi32>
        %add3A_558 = arith.addi %add3A_551, %and3A_557 : vector<16xi32>
        %swap3A_559 = arith.constant 64 : index
        %swap3A_560 = tpu.vector_load %arg6[%swap3A_559] {strides = array<i32>} : memref<256xi32, #tpu.memory_space<vmem>>, vector<16xi32>,
        %swap3A_561 = vector.shape_cast %swap3A_560 : vector<16xi32> to vector<16xi32>
        %swap3A_562 = vector.shape_cast %add3A_558 : vector<16xi32> to vector<16xi32>
        tpu.vector_store %arg6[%swap3A_559], %swap3A_562 {strides = array<i32>} : memref<256xi32, #tpu.memory_space<vmem>>, vector<16xi32>,
        %get3A_563 = arith.constant 80 : index
        %get3A_564 = tpu.vector_load %arg6[%get3A_563] {strides = array<i32>} : memref<256xi32, #tpu.memory_space<vmem>>, vector<16xi32>,
        %get3A_565 = vector.shape_cast %get3A_564 : vector<16xi32> to vector<16xi32>
        %and3A_566 = arith.constant -16384 : i32
        %and3A_567 = vector.broadcast %and3A_566 : i32 to vector<16xi32>
        %and3A_568 = arith.andi %get3A_565, %and3A_567 : vector<16xi32>
        %and3A_569 = arith.constant 8191 : i32
        %and3A_570 = vector.broadcast %and3A_569 : i32 to vector<16xi32>
        %and3A_571 = arith.andi %get3A_565, %and3A_570 : vector<16xi32>
        %mul3A_572 = arith.constant 2 : i32
        %mul3A_573 = vector.broadcast %mul3A_572 : i32 to vector<16xi32>
        %mul3A_574 = arith.muli %and3A_571, %mul3A_573 : vector<16xi32>
        %add3A_575 = arith.addi %and3A_568, %mul3A_574 : vector<16xi32>
        %shift_right_arithmetic3A_576 = arith.constant 13 : i32
        %shift_right_arithmetic3A_577 = vector.broadcast %shift_right_arithmetic3A_576 : i32 to vector<16xi32>
        %shift_right_arithmetic3A_578 = arith.shrsi %get3A_565, %shift_right_arithmetic3A_577 : vector<16xi32>
        %and3A_579 = arith.constant 1 : i32
        %and3A_580 = vector.broadcast %and3A_579 : i32 to vector<16xi32>
        %and3A_581 = arith.andi %shift_right_arithmetic3A_578, %and3A_580 : vector<16xi32>
        %add3A_582 = arith.addi %add3A_575, %and3A_581 : vector<16xi32>
        %swap3A_583 = arith.constant 80 : index
        %swap3A_584 = tpu.vector_load %arg6[%swap3A_583] {strides = array<i32>} : memref<256xi32, #tpu.memory_space<vmem>>, vector<16xi32>,
        %swap3A_585 = vector.shape_cast %swap3A_584 : vector<16xi32> to vector<16xi32>
        %swap3A_586 = vector.shape_cast %add3A_582 : vector<16xi32> to vector<16xi32>
        tpu.vector_store %arg6[%swap3A_583], %swap3A_586 {strides = array<i32>} : memref<256xi32, #tpu.memory_space<vmem>>, vector<16xi32>,
        %get3A_587 = arith.constant 96 : index
        %get3A_588 = tpu.vector_load %arg6[%get3A_587] {strides = array<i32>} : memref<256xi32, #tpu.memory_space<vmem>>, vector<16xi32>,
        %get3A_589 = vector.shape_cast %get3A_588 : vector<16xi32> to vector<16xi32>
        %and3A_590 = arith.constant -16384 : i32
        %and3A_591 = vector.broadcast %and3A_590 : i32 to vector<16xi32>
        %and3A_592 = arith.andi %get3A_589, %and3A_591 : vector<16xi32>
        %and3A_593 = arith.constant 8191 : i32
        %and3A_594 = vector.broadcast %and3A_593 : i32 to vector<16xi32>
        %and3A_595 = arith.andi %get3A_589, %and3A_594 : vector<16xi32>
        %mul3A_596 = arith.constant 2 : i32
        %mul3A_597 = vector.broadcast %mul3A_596 : i32 to vector<16xi32>
        %mul3A_598 = arith.muli %and3A_595, %mul3A_597 : vector<16xi32>
        %add3A_599 = arith.addi %and3A_592, %mul3A_598 : vector<16xi32>
        %shift_right_arithmetic3A_600 = arith.constant 13 : i32
        %shift_right_arithmetic3A_601 = vector.broadcast %shift_right_arithmetic3A_600 : i32 to vector<16xi32>
        %shift_right_arithmetic3A_602 = arith.shrsi %get3A_589, %shift_right_arithmetic3A_601 : vector<16xi32>
        %and3A_603 = arith.constant 1 : i32
        %and3A_604 = vector.broadcast %and3A_603 : i32 to vector<16xi32>
        %and3A_605 = arith.andi %shift_right_arithmetic3A_602, %and3A_604 : vector<16xi32>
        %add3A_606 = arith.addi %add3A_599, %and3A_605 : vector<16xi32>
        %swap3A_607 = arith.constant 96 : index
        %swap3A_608 = tpu.vector_load %arg6[%swap3A_607] {strides = array<i32>} : memref<256xi32, #tpu.memory_space<vmem>>, vector<16xi32>,
        %swap3A_609 = vector.shape_cast %swap3A_608 : vector<16xi32> to vector<16xi32>
        %swap3A_610 = vector.shape_cast %add3A_606 : vector<16xi32> to vector<16xi32>
        tpu.vector_store %arg6[%swap3A_607], %swap3A_610 {strides = array<i32>} : memref<256xi32, #tpu.memory_space<vmem>>, vector<16xi32>,
        %get3A_611 = arith.constant 112 : index
        %get3A_612 = tpu.vector_load %arg6[%get3A_611] {strides = array<i32>} : memref<256xi32, #tpu.memory_space<vmem>>, vector<16xi32>,
        %get3A_613 = vector.shape_cast %get3A_612 : vector<16xi32> to vector<16xi32>
        %and3A_614 = arith.constant -16384 : i32
        %and3A_615 = vector.broadcast %and3A_614 : i32 to vector<16xi32>
        %and3A_616 = arith.andi %get3A_613, %and3A_615 : vector<16xi32>
        %and3A_617 = arith.constant 8191 : i32
        %and3A_618 = vector.broadcast %and3A_617 : i32 to vector<16xi32>
        %and3A_619 = arith.andi %get3A_613, %and3A_618 : vector<16xi32>
        %mul3A_620 = arith.constant 2 : i32
        %mul3A_621 = vector.broadcast %mul3A_620 : i32 to vector<16xi32>
        %mul3A_622 = arith.muli %and3A_619, %mul3A_621 : vector<16xi32>
        %add3A_623 = arith.addi %and3A_616, %mul3A_622 : vector<16xi32>
        %shift_right_arithmetic3A_624 = arith.constant 13 : i32
        %shift_right_arithmetic3A_625 = vector.broadcast %shift_right_arithmetic3A_624 : i32 to vector<16xi32>
        %shift_right_arithmetic3A_626 = arith.shrsi %get3A_613, %shift_right_arithmetic3A_625 : vector<16xi32>
        %and3A_627 = arith.constant 1 : i32
        %and3A_628 = vector.broadcast %and3A_627 : i32 to vector<16xi32>
        %and3A_629 = arith.andi %shift_right_arithmetic3A_626, %and3A_628 : vector<16xi32>
        %add3A_630 = arith.addi %add3A_623, %and3A_629 : vector<16xi32>
        %swap3A_631 = arith.constant 112 : index
        %swap3A_632 = tpu.vector_load %arg6[%swap3A_631] {strides = array<i32>} : memref<256xi32, #tpu.memory_space<vmem>>, vector<16xi32>,
        %swap3A_633 = vector.shape_cast %swap3A_632 : vector<16xi32> to vector<16xi32>
        %swap3A_634 = vector.shape_cast %add3A_630 : vector<16xi32> to vector<16xi32>
        tpu.vector_store %arg6[%swap3A_631], %swap3A_634 {strides = array<i32>} : memref<256xi32, #tpu.memory_space<vmem>>, vector<16xi32>,
        %get3A_635 = arith.constant 128 : index
        %get3A_636 = tpu.vector_load %arg6[%get3A_635] {strides = array<i32>} : memref<256xi32, #tpu.memory_space<vmem>>, vector<16xi32>,
        %get3A_637 = vector.shape_cast %get3A_636 : vector<16xi32> to vector<16xi32>
        %and3A_638 = arith.constant -16384 : i32
        %and3A_639 = vector.broadcast %and3A_638 : i32 to vector<16xi32>
        %and3A_640 = arith.andi %get3A_637, %and3A_639 : vector<16xi32>
        %and3A_641 = arith.constant 8191 : i32
        %and3A_642 = vector.broadcast %and3A_641 : i32 to vector<16xi32>
        %and3A_643 = arith.andi %get3A_637, %and3A_642 : vector<16xi32>
        %mul3A_644 = arith.constant 2 : i32
        %mul3A_645 = vector.broadcast %mul3A_644 : i32 to vector<16xi32>
        %mul3A_646 = arith.muli %and3A_643, %mul3A_645 : vector<16xi32>
        %add3A_647 = arith.addi %and3A_640, %mul3A_646 : vector<16xi32>
        %shift_right_arithmetic3A_648 = arith.constant 13 : i32
        %shift_right_arithmetic3A_649 = vector.broadcast %shift_right_arithmetic3A_648 : i32 to vector<16xi32>
        %shift_right_arithmetic3A_650 = arith.shrsi %get3A_637, %shift_right_arithmetic3A_649 : vector<16xi32>
        %and3A_651 = arith.constant 1 : i32
        %and3A_652 = vector.broadcast %and3A_651 : i32 to vector<16xi32>
        %and3A_653 = arith.andi %shift_right_arithmetic3A_650, %and3A_652 : vector<16xi32>
        %add3A_654 = arith.addi %add3A_647, %and3A_653 : vector<16xi32>
        %swap3A_655 = arith.constant 128 : index
        %swap3A_656 = tpu.vector_load %arg6[%swap3A_655] {strides = array<i32>} : memref<256xi32, #tpu.memory_space<vmem>>, vector<16xi32>,
        %swap3A_657 = vector.shape_cast %swap3A_656 : vector<16xi32> to vector<16xi32>
        %swap3A_658 = vector.shape_cast %add3A_654 : vector<16xi32> to vector<16xi32>
        tpu.vector_store %arg6[%swap3A_655], %swap3A_658 {strides = array<i32>} : memref<256xi32, #tpu.memory_space<vmem>>, vector<16xi32>,
        %get3A_659 = arith.constant 144 : index
        %get3A_660 = tpu.vector_load %arg6[%get3A_659] {strides = array<i32>} : memref<256xi32, #tpu.memory_space<vmem>>, vector<16xi32>,
        %get3A_661 = vector.shape_cast %get3A_660 : vector<16xi32> to vector<16xi32>
        %and3A_662 = arith.constant -16384 : i32
        %and3A_663 = vector.broadcast %and3A_662 : i32 to vector<16xi32>
        %and3A_664 = arith.andi %get3A_661, %and3A_663 : vector<16xi32>
        %and3A_665 = arith.constant 8191 : i32
        %and3A_666 = vector.broadcast %and3A_665 : i32 to vector<16xi32>
        %and3A_667 = arith.andi %get3A_661, %and3A_666 : vector<16xi32>
        %mul3A_668 = arith.constant 2 : i32
        %mul3A_669 = vector.broadcast %mul3A_668 : i32 to vector<16xi32>
        %mul3A_670 = arith.muli %and3A_667, %mul3A_669 : vector<16xi32>
        %add3A_671 = arith.addi %and3A_664, %mul3A_670 : vector<16xi32>
        %shift_right_arithmetic3A_672 = arith.constant 13 : i32
        %shift_right_arithmetic3A_673 = vector.broadcast %shift_right_arithmetic3A_672 : i32 to vector<16xi32>
        %shift_right_arithmetic3A_674 = arith.shrsi %get3A_661, %shift_right_arithmetic3A_673 : vector<16xi32>
        %and3A_675 = arith.constant 1 : i32
        %and3A_676 = vector.broadcast %and3A_675 : i32 to vector<16xi32>
        %and3A_677 = arith.andi %shift_right_arithmetic3A_674, %and3A_676 : vector<16xi32>
        %add3A_678 = arith.addi %add3A_671, %and3A_677 : vector<16xi32>
        %swap3A_679 = arith.constant 144 : index
        %swap3A_680 = tpu.vector_load %arg6[%swap3A_679] {strides = array<i32>} : memref<256xi32, #tpu.memory_space<vmem>>, vector<16xi32>,
        %swap3A_681 = vector.shape_cast %swap3A_680 : vector<16xi32> to vector<16xi32>
        %swap3A_682 = vector.shape_cast %add3A_678 : vector<16xi32> to vector<16xi32>
        tpu.vector_store %arg6[%swap3A_679], %swap3A_682 {strides = array<i32>} : memref<256xi32, #tpu.memory_space<vmem>>, vector<16xi32>,
        %get3A_683 = arith.constant 160 : index
        %get3A_684 = tpu.vector_load %arg6[%get3A_683] {strides = array<i32>} : memref<256xi32, #tpu.memory_space<vmem>>, vector<16xi32>,
        %get3A_685 = vector.shape_cast %get3A_684 : vector<16xi32> to vector<16xi32>
        %and3A_686 = arith.constant -16384 : i32
        %and3A_687 = vector.broadcast %and3A_686 : i32 to vector<16xi32>
        %and3A_688 = arith.andi %get3A_685, %and3A_687 : vector<16xi32>
        %and3A_689 = arith.constant 8191 : i32
        %and3A_690 = vector.broadcast %and3A_689 : i32 to vector<16xi32>
        %and3A_691 = arith.andi %get3A_685, %and3A_690 : vector<16xi32>
        %mul3A_692 = arith.constant 2 : i32
        %mul3A_693 = vector.broadcast %mul3A_692 : i32 to vector<16xi32>
        %mul3A_694 = arith.muli %and3A_691, %mul3A_693 : vector<16xi32>
        %add3A_695 = arith.addi %and3A_688, %mul3A_694 : vector<16xi32>
        %shift_right_arithmetic3A_696 = arith.constant 13 : i32
        %shift_right_arithmetic3A_697 = vector.broadcast %shift_right_arithmetic3A_696 : i32 to vector<16xi32>
        %shift_right_arithmetic3A_698 = arith.shrsi %get3A_685, %shift_right_arithmetic3A_697 : vector<16xi32>
        %and3A_699 = arith.constant 1 : i32
        %and3A_700 = vector.broadcast %and3A_699 : i32 to vector<16xi32>
        %and3A_701 = arith.andi %shift_right_arithmetic3A_698, %and3A_700 : vector<16xi32>
        %add3A_702 = arith.addi %add3A_695, %and3A_701 : vector<16xi32>
        %swap3A_703 = arith.constant 160 : index
        %swap3A_704 = tpu.vector_load %arg6[%swap3A_703] {strides = array<i32>} : memref<256xi32, #tpu.memory_space<vmem>>, vector<16xi32>,
        %swap3A_705 = vector.shape_cast %swap3A_704 : vector<16xi32> to vector<16xi32>
        %swap3A_706 = vector.shape_cast %add3A_702 : vector<16xi32> to vector<16xi32>
        tpu.vector_store %arg6[%swap3A_703], %swap3A_706 {strides = array<i32>} : memref<256xi32, #tpu.memory_space<vmem>>, vector<16xi32>,
        %get3A_707 = arith.constant 176 : index
        %get3A_708 = tpu.vector_load %arg6[%get3A_707] {strides = array<i32>} : memref<256xi32, #tpu.memory_space<vmem>>, vector<16xi32>,
        %get3A_709 = vector.shape_cast %get3A_708 : vector<16xi32> to vector<16xi32>
        %and3A_710 = arith.constant -16384 : i32
        %and3A_711 = vector.broadcast %and3A_710 : i32 to vector<16xi32>
        %and3A_712 = arith.andi %get3A_709, %and3A_711 : vector<16xi32>
        %and3A_713 = arith.constant 8191 : i32
        %and3A_714 = vector.broadcast %and3A_713 : i32 to vector<16xi32>
        %and3A_715 = arith.andi %get3A_709, %and3A_714 : vector<16xi32>
        %mul3A_716 = arith.constant 2 : i32
        %mul3A_717 = vector.broadcast %mul3A_716 : i32 to vector<16xi32>
        %mul3A_718 = arith.muli %and3A_715, %mul3A_717 : vector<16xi32>
        %add3A_719 = arith.addi %and3A_712, %mul3A_718 : vector<16xi32>
        %shift_right_arithmetic3A_720 = arith.constant 13 : i32
        %shift_right_arithmetic3A_721 = vector.broadcast %shift_right_arithmetic3A_720 : i32 to vector<16xi32>
        %shift_right_arithmetic3A_722 = arith.shrsi %get3A_709, %shift_right_arithmetic3A_721 : vector<16xi32>
        %and3A_723 = arith.constant 1 : i32
        %and3A_724 = vector.broadcast %and3A_723 : i32 to vector<16xi32>
        %and3A_725 = arith.andi %shift_right_arithmetic3A_722, %and3A_724 : vector<16xi32>
        %add3A_726 = arith.addi %add3A_719, %and3A_725 : vector<16xi32>
        %swap3A_727 = arith.constant 176 : index
        %swap3A_728 = tpu.vector_load %arg6[%swap3A_727] {strides = array<i32>} : memref<256xi32, #tpu.memory_space<vmem>>, vector<16xi32>,
        %swap3A_729 = vector.shape_cast %swap3A_728 : vector<16xi32> to vector<16xi32>
        %swap3A_730 = vector.shape_cast %add3A_726 : vector<16xi32> to vector<16xi32>
        tpu.vector_store %arg6[%swap3A_727], %swap3A_730 {strides = array<i32>} : memref<256xi32, #tpu.memory_space<vmem>>, vector<16xi32>,
        %get3A_731 = arith.constant 192 : index
        %get3A_732 = tpu.vector_load %arg6[%get3A_731] {strides = array<i32>} : memref<256xi32, #tpu.memory_space<vmem>>, vector<16xi32>,
        %get3A_733 = vector.shape_cast %get3A_732 : vector<16xi32> to vector<16xi32>
        %and3A_734 = arith.constant -16384 : i32
        %and3A_735 = vector.broadcast %and3A_734 : i32 to vector<16xi32>
        %and3A_736 = arith.andi %get3A_733, %and3A_735 : vector<16xi32>
        %and3A_737 = arith.constant 8191 : i32
        %and3A_738 = vector.broadcast %and3A_737 : i32 to vector<16xi32>
        %and3A_739 = arith.andi %get3A_733, %and3A_738 : vector<16xi32>
        %mul3A_740 = arith.constant 2 : i32
        %mul3A_741 = vector.broadcast %mul3A_740 : i32 to vector<16xi32>
        %mul3A_742 = arith.muli %and3A_739, %mul3A_741 : vector<16xi32>
        %add3A_743 = arith.addi %and3A_736, %mul3A_742 : vector<16xi32>
        %shift_right_arithmetic3A_744 = arith.constant 13 : i32
        %shift_right_arithmetic3A_745 = vector.broadcast %shift_right_arithmetic3A_744 : i32 to vector<16xi32>
        %shift_right_arithmetic3A_746 = arith.shrsi %get3A_733, %shift_right_arithmetic3A_745 : vector<16xi32>
        %and3A_747 = arith.constant 1 : i32
        %and3A_748 = vector.broadcast %and3A_747 : i32 to vector<16xi32>
        %and3A_749 = arith.andi %shift_right_arithmetic3A_746, %and3A_748 : vector<16xi32>
        %add3A_750 = arith.addi %add3A_743, %and3A_749 : vector<16xi32>
        %swap3A_751 = arith.constant 192 : index
        %swap3A_752 = tpu.vector_load %arg6[%swap3A_751] {strides = array<i32>} : memref<256xi32, #tpu.memory_space<vmem>>, vector<16xi32>,
        %swap3A_753 = vector.shape_cast %swap3A_752 : vector<16xi32> to vector<16xi32>
        %swap3A_754 = vector.shape_cast %add3A_750 : vector<16xi32> to vector<16xi32>
        tpu.vector_store %arg6[%swap3A_751], %swap3A_754 {strides = array<i32>} : memref<256xi32, #tpu.memory_space<vmem>>, vector<16xi32>,
        %get3A_755 = arith.constant 208 : index
        %get3A_756 = tpu.vector_load %arg6[%get3A_755] {strides = array<i32>} : memref<256xi32, #tpu.memory_space<vmem>>, vector<16xi32>,
        %get3A_757 = vector.shape_cast %get3A_756 : vector<16xi32> to vector<16xi32>
        %and3A_758 = arith.constant -16384 : i32
        %and3A_759 = vector.broadcast %and3A_758 : i32 to vector<16xi32>
        %and3A_760 = arith.andi %get3A_757, %and3A_759 : vector<16xi32>
        %and3A_761 = arith.constant 8191 : i32
        %and3A_762 = vector.broadcast %and3A_761 : i32 to vector<16xi32>
        %and3A_763 = arith.andi %get3A_757, %and3A_762 : vector<16xi32>
        %mul3A_764 = arith.constant 2 : i32
        %mul3A_765 = vector.broadcast %mul3A_764 : i32 to vector<16xi32>
        %mul3A_766 = arith.muli %and3A_763, %mul3A_765 : vector<16xi32>
        %add3A_767 = arith.addi %and3A_760, %mul3A_766 : vector<16xi32>
        %shift_right_arithmetic3A_768 = arith.constant 13 : i32
        %shift_right_arithmetic3A_769 = vector.broadcast %shift_right_arithmetic3A_768 : i32 to vector<16xi32>
        %shift_right_arithmetic3A_770 = arith.shrsi %get3A_757, %shift_right_arithmetic3A_769 : vector<16xi32>
        %and3A_771 = arith.constant 1 : i32
        %and3A_772 = vector.broadcast %and3A_771 : i32 to vector<16xi32>
        %and3A_773 = arith.andi %shift_right_arithmetic3A_770, %and3A_772 : vector<16xi32>
        %add3A_774 = arith.addi %add3A_767, %and3A_773 : vector<16xi32>
        %swap3A_775 = arith.constant 208 : index
        %swap3A_776 = tpu.vector_load %arg6[%swap3A_775] {strides = array<i32>} : memref<256xi32, #tpu.memory_space<vmem>>, vector<16xi32>,
        %swap3A_777 = vector.shape_cast %swap3A_776 : vector<16xi32> to vector<16xi32>
        %swap3A_778 = vector.shape_cast %add3A_774 : vector<16xi32> to vector<16xi32>
        tpu.vector_store %arg6[%swap3A_775], %swap3A_778 {strides = array<i32>} : memref<256xi32, #tpu.memory_space<vmem>>, vector<16xi32>,
        %get3A_779 = arith.constant 224 : index
        %get3A_780 = tpu.vector_load %arg6[%get3A_779] {strides = array<i32>} : memref<256xi32, #tpu.memory_space<vmem>>, vector<16xi32>,
        %get3A_781 = vector.shape_cast %get3A_780 : vector<16xi32> to vector<16xi32>
        %and3A_782 = arith.constant -16384 : i32
        %and3A_783 = vector.broadcast %and3A_782 : i32 to vector<16xi32>
        %and3A_784 = arith.andi %get3A_781, %and3A_783 : vector<16xi32>
        %and3A_785 = arith.constant 8191 : i32
        %and3A_786 = vector.broadcast %and3A_785 : i32 to vector<16xi32>
        %and3A_787 = arith.andi %get3A_781, %and3A_786 : vector<16xi32>
        %mul3A_788 = arith.constant 2 : i32
        %mul3A_789 = vector.broadcast %mul3A_788 : i32 to vector<16xi32>
        %mul3A_790 = arith.muli %and3A_787, %mul3A_789 : vector<16xi32>
        %add3A_791 = arith.addi %and3A_784, %mul3A_790 : vector<16xi32>
        %shift_right_arithmetic3A_792 = arith.constant 13 : i32
        %shift_right_arithmetic3A_793 = vector.broadcast %shift_right_arithmetic3A_792 : i32 to vector<16xi32>
        %shift_right_arithmetic3A_794 = arith.shrsi %get3A_781, %shift_right_arithmetic3A_793 : vector<16xi32>
        %and3A_795 = arith.constant 1 : i32
        %and3A_796 = vector.broadcast %and3A_795 : i32 to vector<16xi32>
        %and3A_797 = arith.andi %shift_right_arithmetic3A_794, %and3A_796 : vector<16xi32>
        %add3A_798 = arith.addi %add3A_791, %and3A_797 : vector<16xi32>
        %swap3A_799 = arith.constant 224 : index
        %swap3A_800 = tpu.vector_load %arg6[%swap3A_799] {strides = array<i32>} : memref<256xi32, #tpu.memory_space<vmem>>, vector<16xi32>,
        %swap3A_801 = vector.shape_cast %swap3A_800 : vector<16xi32> to vector<16xi32>
        %swap3A_802 = vector.shape_cast %add3A_798 : vector<16xi32> to vector<16xi32>
        tpu.vector_store %arg6[%swap3A_799], %swap3A_802 {strides = array<i32>} : memref<256xi32, #tpu.memory_space<vmem>>, vector<16xi32>,
        %get3A_803 = arith.constant 240 : index
        %get3A_804 = tpu.vector_load %arg6[%get3A_803] {strides = array<i32>} : memref<256xi32, #tpu.memory_space<vmem>>, vector<16xi32>,
        %get3A_805 = vector.shape_cast %get3A_804 : vector<16xi32> to vector<16xi32>
        %and3A_806 = arith.constant -16384 : i32
        %and3A_807 = vector.broadcast %and3A_806 : i32 to vector<16xi32>
        %and3A_808 = arith.andi %get3A_805, %and3A_807 : vector<16xi32>
        %and3A_809 = arith.constant 8191 : i32
        %and3A_810 = vector.broadcast %and3A_809 : i32 to vector<16xi32>
        %and3A_811 = arith.andi %get3A_805, %and3A_810 : vector<16xi32>
        %mul3A_812 = arith.constant 2 : i32
        %mul3A_813 = vector.broadcast %mul3A_812 : i32 to vector<16xi32>
        %mul3A_814 = arith.muli %and3A_811, %mul3A_813 : vector<16xi32>
        %add3A_815 = arith.addi %and3A_808, %mul3A_814 : vector<16xi32>
        %shift_right_arithmetic3A_816 = arith.constant 13 : i32
        %shift_right_arithmetic3A_817 = vector.broadcast %shift_right_arithmetic3A_816 : i32 to vector<16xi32>
        %shift_right_arithmetic3A_818 = arith.shrsi %get3A_805, %shift_right_arithmetic3A_817 : vector<16xi32>
        %and3A_819 = arith.constant 1 : i32
        %and3A_820 = vector.broadcast %and3A_819 : i32 to vector<16xi32>
        %and3A_821 = arith.andi %shift_right_arithmetic3A_818, %and3A_820 : vector<16xi32>
        %add3A_822 = arith.addi %add3A_815, %and3A_821 : vector<16xi32>
        %swap3A_823 = arith.constant 240 : index
        %swap3A_824 = tpu.vector_load %arg6[%swap3A_823] {strides = array<i32>} : memref<256xi32, #tpu.memory_space<vmem>>, vector<16xi32>,
        %swap3A_825 = vector.shape_cast %swap3A_824 : vector<16xi32> to vector<16xi32>
        %swap3A_826 = vector.shape_cast %add3A_822 : vector<16xi32> to vector<16xi32>
        tpu.vector_store %arg6[%swap3A_823], %swap3A_826 {strides = array<i32>} : memref<256xi32, #tpu.memory_space<vmem>>, vector<16xi32>,
        %dma_start3A_827 = arith.constant 0 : i32
        %dma_start3A_828 = arith.constant 0 : i32
        %dma_start3A_829 = tpu.memref_slice %arg3[%dma_start3A_827, %dma_start3A_828] : memref<1015808x64xf32, #tpu.memory_space<hbm>> -> memref<1015808x64xf32, #tpu.memory_space<hbm>>
        tpu.enqueue_indirect_dma source(%dma_start3A_829 : memref<1015808x64xf32, #tpu.memory_space<hbm>>) target(%arg8 : memref<256x64xf32, #tpu.memory_space<vmem>>) offsets(%arg6 : memref<256xi32, #tpu.memory_space<vmem>>) semaphore(%arg12 : memref<!tpu.dma_semaphore, #tpu.memory_space<semaphore_mem>>)
      } else {
      }
      %mul3A_417 = arith.constant 256 : i32
      %mul3A_418 = arith.muli %add3A_407, %mul3A_417 : i32
      %add3A_419 = arith.addi %mul3A_2, %mul3A_418 : i32
      "tpu.region"() ({
        %run_scoped3A = tpu.sem_alloc : memref<!tpu.dma_semaphore, #tpu.memory_space<semaphore_mem>>
        %dma_start3A_436 = arith.constant 0 : i32
        %dma_start3A_437 = tpu.memref_slice %arg4[%add3A_419, %dma_start3A_436] : memref<819200x64xf32, #tpu.memory_space<hbm>> -> memref<256x64xf32, #tpu.memory_space<hbm>>
        %dma_start3A_438 = arith.constant 0 : i32
        %dma_start3A_439 = tpu.memref_slice %arg4[%add3A_419, %dma_start3A_438] : memref<819200x64xf32, #tpu.memory_space<hbm>> -> memref<256x64xf32, #tpu.memory_space<hbm>>
        tpu.enqueue_dma source(%arg7 : memref<256x64xf32, #tpu.memory_space<vmem>>) target(%dma_start3A_439 : memref<256x64xf32, #tpu.memory_space<hbm>>) target_semaphore(%run_scoped3A : memref<!tpu.dma_semaphore, #tpu.memory_space<semaphore_mem>>)
        %dma_wait3A_440 = arith.constant 0 : i32
        %dma_wait3A_441 = tpu.memref_slice %arg4[%add3A_419, %dma_wait3A_440] : memref<819200x64xf32, #tpu.memory_space<hbm>> -> memref<256x64xf32, #tpu.memory_space<hbm>>
        %dma_wait3A_442 = arith.constant 0 : i32
        %dma_wait3A_443 = tpu.memref_slice %arg4[%add3A_419, %dma_wait3A_442] : memref<819200x64xf32, #tpu.memory_space<hbm>> -> memref<256x64xf32, #tpu.memory_space<hbm>>
        tpu.wait_dma2 semaphore(%run_scoped3A : memref<!tpu.dma_semaphore, #tpu.memory_space<semaphore_mem>>) src(%arg7 : memref<256x64xf32, #tpu.memory_space<vmem>>) dst(%dma_wait3A_443 : memref<256x64xf32, #tpu.memory_space<hbm>>)
        tpu.yield
      }) : () -> ()
      %mul3A_420 = arith.constant 2 : i32
      %mul3A_421 = arith.muli %scan3A_402, %mul3A_420 : i32
      %add3A_422 = arith.constant 1 : i32
      %add3A_423 = arith.addi %mul3A_421, %add3A_422 : i32
      %dma_wait3A_424 = arith.constant 0 : i32
      %dma_wait3A_425 = arith.constant 0 : i32
      %dma_wait3A_426 = tpu.memref_slice %arg3[%dma_wait3A_424, %dma_wait3A_425] : memref<1015808x64xf32, #tpu.memory_space<hbm>> -> memref<1015808x64xf32, #tpu.memory_space<hbm>>
      tpu.wait_indirect_dma semaphore(%arg12 : memref<!tpu.dma_semaphore, #tpu.memory_space<semaphore_mem>>) src(%dma_wait3A_426 : memref<1015808x64xf32, #tpu.memory_space<hbm>>) dst(%arg8 : memref<256x64xf32, #tpu.memory_space<vmem>>)
      %lt3A_427 = arith.constant 49 : i32
      %lt3A_428 = arith.cmpi slt, %scan3A_402, %lt3A_427 : i32
      %convert_element_type3A_429 = arith.extui %lt3A_428 : i1 to i32
      %cond3A_430 = arith.constant 0 : i32
      %cond3A_431 = arith.cmpi ne, %convert_element_type3A_429, %cond3A_430 : i32
      scf.if %cond3A_431 {
        %add3A_436 = arith.constant 2 : i32
        %add3A_437 = arith.addi %add3A_423, %add3A_436 : i32
        %mul3A_438 = arith.constant 256 : i32
        %mul3A_439 = arith.muli %add3A_437, %mul3A_438 : i32
        %add3A_440 = arith.addi %mul3A_2, %mul3A_439 : i32
        %dma_start3A_441 = tpu.memref_slice %arg2[%add3A_440] : memref<819200xi32, #tpu.memory_space<hbm>> -> memref<256xi32, #tpu.memory_space<hbm>>
        %dma_start3A_442 = tpu.memref_slice %arg2[%add3A_440] : memref<819200xi32, #tpu.memory_space<hbm>> -> memref<256xi32, #tpu.memory_space<hbm>>
        tpu.enqueue_dma source(%dma_start3A_442 : memref<256xi32, #tpu.memory_space<hbm>>) target(%arg6 : memref<256xi32, #tpu.memory_space<vmem>>) target_semaphore(%arg10 : memref<!tpu.dma_semaphore, #tpu.memory_space<semaphore_mem>>)
        %add3A_443 = arith.constant 1 : i32
        %add3A_444 = arith.addi %add3A_423, %add3A_443 : i32
        %mul3A_445 = arith.constant 256 : i32
        %mul3A_446 = arith.muli %add3A_444, %mul3A_445 : i32
        %add3A_447 = arith.addi %mul3A_2, %mul3A_446 : i32
        %dma_wait3A_448 = tpu.memref_slice %arg2[%add3A_447] : memref<819200xi32, #tpu.memory_space<hbm>> -> memref<256xi32, #tpu.memory_space<hbm>>
        %dma_wait3A_449 = tpu.memref_slice %arg2[%add3A_447] : memref<819200xi32, #tpu.memory_space<hbm>> -> memref<256xi32, #tpu.memory_space<hbm>>
        tpu.wait_dma2 semaphore(%arg9 : memref<!tpu.dma_semaphore, #tpu.memory_space<semaphore_mem>>) src(%dma_wait3A_449 : memref<256xi32, #tpu.memory_space<hbm>>) dst(%arg5 : memref<256xi32, #tpu.memory_space<vmem>>)
        %get3A_450 = arith.constant 0 : index
        %get3A_451 = tpu.vector_load %arg5[%get3A_450] {strides = array<i32>} : memref<256xi32, #tpu.memory_space<vmem>>, vector<16xi32>,
        %get3A_452 = vector.shape_cast %get3A_451 : vector<16xi32> to vector<16xi32>
        %and3A_453 = arith.constant -16384 : i32
        %and3A_454 = vector.broadcast %and3A_453 : i32 to vector<16xi32>
        %and3A_455 = arith.andi %get3A_452, %and3A_454 : vector<16xi32>
        %and3A_456 = arith.constant 8191 : i32
        %and3A_457 = vector.broadcast %and3A_456 : i32 to vector<16xi32>
        %and3A_458 = arith.andi %get3A_452, %and3A_457 : vector<16xi32>
        %mul3A_459 = arith.constant 2 : i32
        %mul3A_460 = vector.broadcast %mul3A_459 : i32 to vector<16xi32>
        %mul3A_461 = arith.muli %and3A_458, %mul3A_460 : vector<16xi32>
        %add3A_462 = arith.addi %and3A_455, %mul3A_461 : vector<16xi32>
        %shift_right_arithmetic3A_463 = arith.constant 13 : i32
        %shift_right_arithmetic3A_464 = vector.broadcast %shift_right_arithmetic3A_463 : i32 to vector<16xi32>
        %shift_right_arithmetic3A_465 = arith.shrsi %get3A_452, %shift_right_arithmetic3A_464 : vector<16xi32>
        %and3A_466 = arith.constant 1 : i32
        %and3A_467 = vector.broadcast %and3A_466 : i32 to vector<16xi32>
        %and3A_468 = arith.andi %shift_right_arithmetic3A_465, %and3A_467 : vector<16xi32>
        %add3A_469 = arith.addi %add3A_462, %and3A_468 : vector<16xi32>
        %swap3A_470 = arith.constant 0 : index
        %swap3A_471 = tpu.vector_load %arg5[%swap3A_470] {strides = array<i32>} : memref<256xi32, #tpu.memory_space<vmem>>, vector<16xi32>,
        %swap3A_472 = vector.shape_cast %swap3A_471 : vector<16xi32> to vector<16xi32>
        %swap3A_473 = vector.shape_cast %add3A_469 : vector<16xi32> to vector<16xi32>
        tpu.vector_store %arg5[%swap3A_470], %swap3A_473 {strides = array<i32>} : memref<256xi32, #tpu.memory_space<vmem>>, vector<16xi32>,
        %get3A_474 = arith.constant 16 : index
        %get3A_475 = tpu.vector_load %arg5[%get3A_474] {strides = array<i32>} : memref<256xi32, #tpu.memory_space<vmem>>, vector<16xi32>,
        %get3A_476 = vector.shape_cast %get3A_475 : vector<16xi32> to vector<16xi32>
        %and3A_477 = arith.constant -16384 : i32
        %and3A_478 = vector.broadcast %and3A_477 : i32 to vector<16xi32>
        %and3A_479 = arith.andi %get3A_476, %and3A_478 : vector<16xi32>
        %and3A_480 = arith.constant 8191 : i32
        %and3A_481 = vector.broadcast %and3A_480 : i32 to vector<16xi32>
        %and3A_482 = arith.andi %get3A_476, %and3A_481 : vector<16xi32>
        %mul3A_483 = arith.constant 2 : i32
        %mul3A_484 = vector.broadcast %mul3A_483 : i32 to vector<16xi32>
        %mul3A_485 = arith.muli %and3A_482, %mul3A_484 : vector<16xi32>
        %add3A_486 = arith.addi %and3A_479, %mul3A_485 : vector<16xi32>
        %shift_right_arithmetic3A_487 = arith.constant 13 : i32
        %shift_right_arithmetic3A_488 = vector.broadcast %shift_right_arithmetic3A_487 : i32 to vector<16xi32>
        %shift_right_arithmetic3A_489 = arith.shrsi %get3A_476, %shift_right_arithmetic3A_488 : vector<16xi32>
        %and3A_490 = arith.constant 1 : i32
        %and3A_491 = vector.broadcast %and3A_490 : i32 to vector<16xi32>
        %and3A_492 = arith.andi %shift_right_arithmetic3A_489, %and3A_491 : vector<16xi32>
        %add3A_493 = arith.addi %add3A_486, %and3A_492 : vector<16xi32>
        %swap3A_494 = arith.constant 16 : index
        %swap3A_495 = tpu.vector_load %arg5[%swap3A_494] {strides = array<i32>} : memref<256xi32, #tpu.memory_space<vmem>>, vector<16xi32>,
        %swap3A_496 = vector.shape_cast %swap3A_495 : vector<16xi32> to vector<16xi32>
        %swap3A_497 = vector.shape_cast %add3A_493 : vector<16xi32> to vector<16xi32>
        tpu.vector_store %arg5[%swap3A_494], %swap3A_497 {strides = array<i32>} : memref<256xi32, #tpu.memory_space<vmem>>, vector<16xi32>,
        %get3A_498 = arith.constant 32 : index
        %get3A_499 = tpu.vector_load %arg5[%get3A_498] {strides = array<i32>} : memref<256xi32, #tpu.memory_space<vmem>>, vector<16xi32>,
        %get3A_500 = vector.shape_cast %get3A_499 : vector<16xi32> to vector<16xi32>
        %and3A_501 = arith.constant -16384 : i32
        %and3A_502 = vector.broadcast %and3A_501 : i32 to vector<16xi32>
        %and3A_503 = arith.andi %get3A_500, %and3A_502 : vector<16xi32>
        %and3A_504 = arith.constant 8191 : i32
        %and3A_505 = vector.broadcast %and3A_504 : i32 to vector<16xi32>
        %and3A_506 = arith.andi %get3A_500, %and3A_505 : vector<16xi32>
        %mul3A_507 = arith.constant 2 : i32
        %mul3A_508 = vector.broadcast %mul3A_507 : i32 to vector<16xi32>
        %mul3A_509 = arith.muli %and3A_506, %mul3A_508 : vector<16xi32>
        %add3A_510 = arith.addi %and3A_503, %mul3A_509 : vector<16xi32>
        %shift_right_arithmetic3A_511 = arith.constant 13 : i32
        %shift_right_arithmetic3A_512 = vector.broadcast %shift_right_arithmetic3A_511 : i32 to vector<16xi32>
        %shift_right_arithmetic3A_513 = arith.shrsi %get3A_500, %shift_right_arithmetic3A_512 : vector<16xi32>
        %and3A_514 = arith.constant 1 : i32
        %and3A_515 = vector.broadcast %and3A_514 : i32 to vector<16xi32>
        %and3A_516 = arith.andi %shift_right_arithmetic3A_513, %and3A_515 : vector<16xi32>
        %add3A_517 = arith.addi %add3A_510, %and3A_516 : vector<16xi32>
        %swap3A_518 = arith.constant 32 : index
        %swap3A_519 = tpu.vector_load %arg5[%swap3A_518] {strides = array<i32>} : memref<256xi32, #tpu.memory_space<vmem>>, vector<16xi32>,
        %swap3A_520 = vector.shape_cast %swap3A_519 : vector<16xi32> to vector<16xi32>
        %swap3A_521 = vector.shape_cast %add3A_517 : vector<16xi32> to vector<16xi32>
        tpu.vector_store %arg5[%swap3A_518], %swap3A_521 {strides = array<i32>} : memref<256xi32, #tpu.memory_space<vmem>>, vector<16xi32>,
        %get3A_522 = arith.constant 48 : index
        %get3A_523 = tpu.vector_load %arg5[%get3A_522] {strides = array<i32>} : memref<256xi32, #tpu.memory_space<vmem>>, vector<16xi32>,
        %get3A_524 = vector.shape_cast %get3A_523 : vector<16xi32> to vector<16xi32>
        %and3A_525 = arith.constant -16384 : i32
        %and3A_526 = vector.broadcast %and3A_525 : i32 to vector<16xi32>
        %and3A_527 = arith.andi %get3A_524, %and3A_526 : vector<16xi32>
        %and3A_528 = arith.constant 8191 : i32
        %and3A_529 = vector.broadcast %and3A_528 : i32 to vector<16xi32>
        %and3A_530 = arith.andi %get3A_524, %and3A_529 : vector<16xi32>
        %mul3A_531 = arith.constant 2 : i32
        %mul3A_532 = vector.broadcast %mul3A_531 : i32 to vector<16xi32>
        %mul3A_533 = arith.muli %and3A_530, %mul3A_532 : vector<16xi32>
        %add3A_534 = arith.addi %and3A_527, %mul3A_533 : vector<16xi32>
        %shift_right_arithmetic3A_535 = arith.constant 13 : i32
        %shift_right_arithmetic3A_536 = vector.broadcast %shift_right_arithmetic3A_535 : i32 to vector<16xi32>
        %shift_right_arithmetic3A_537 = arith.shrsi %get3A_524, %shift_right_arithmetic3A_536 : vector<16xi32>
        %and3A_538 = arith.constant 1 : i32
        %and3A_539 = vector.broadcast %and3A_538 : i32 to vector<16xi32>
        %and3A_540 = arith.andi %shift_right_arithmetic3A_537, %and3A_539 : vector<16xi32>
        %add3A_541 = arith.addi %add3A_534, %and3A_540 : vector<16xi32>
        %swap3A_542 = arith.constant 48 : index
        %swap3A_543 = tpu.vector_load %arg5[%swap3A_542] {strides = array<i32>} : memref<256xi32, #tpu.memory_space<vmem>>, vector<16xi32>,
        %swap3A_544 = vector.shape_cast %swap3A_543 : vector<16xi32> to vector<16xi32>
        %swap3A_545 = vector.shape_cast %add3A_541 : vector<16xi32> to vector<16xi32>
        tpu.vector_store %arg5[%swap3A_542], %swap3A_545 {strides = array<i32>} : memref<256xi32, #tpu.memory_space<vmem>>, vector<16xi32>,
        %get3A_546 = arith.constant 64 : index
        %get3A_547 = tpu.vector_load %arg5[%get3A_546] {strides = array<i32>} : memref<256xi32, #tpu.memory_space<vmem>>, vector<16xi32>,
        %get3A_548 = vector.shape_cast %get3A_547 : vector<16xi32> to vector<16xi32>
        %and3A_549 = arith.constant -16384 : i32
        %and3A_550 = vector.broadcast %and3A_549 : i32 to vector<16xi32>
        %and3A_551 = arith.andi %get3A_548, %and3A_550 : vector<16xi32>
        %and3A_552 = arith.constant 8191 : i32
        %and3A_553 = vector.broadcast %and3A_552 : i32 to vector<16xi32>
        %and3A_554 = arith.andi %get3A_548, %and3A_553 : vector<16xi32>
        %mul3A_555 = arith.constant 2 : i32
        %mul3A_556 = vector.broadcast %mul3A_555 : i32 to vector<16xi32>
        %mul3A_557 = arith.muli %and3A_554, %mul3A_556 : vector<16xi32>
        %add3A_558 = arith.addi %and3A_551, %mul3A_557 : vector<16xi32>
        %shift_right_arithmetic3A_559 = arith.constant 13 : i32
        %shift_right_arithmetic3A_560 = vector.broadcast %shift_right_arithmetic3A_559 : i32 to vector<16xi32>
        %shift_right_arithmetic3A_561 = arith.shrsi %get3A_548, %shift_right_arithmetic3A_560 : vector<16xi32>
        %and3A_562 = arith.constant 1 : i32
        %and3A_563 = vector.broadcast %and3A_562 : i32 to vector<16xi32>
        %and3A_564 = arith.andi %shift_right_arithmetic3A_561, %and3A_563 : vector<16xi32>
        %add3A_565 = arith.addi %add3A_558, %and3A_564 : vector<16xi32>
        %swap3A_566 = arith.constant 64 : index
        %swap3A_567 = tpu.vector_load %arg5[%swap3A_566] {strides = array<i32>} : memref<256xi32, #tpu.memory_space<vmem>>, vector<16xi32>,
        %swap3A_568 = vector.shape_cast %swap3A_567 : vector<16xi32> to vector<16xi32>
        %swap3A_569 = vector.shape_cast %add3A_565 : vector<16xi32> to vector<16xi32>
        tpu.vector_store %arg5[%swap3A_566], %swap3A_569 {strides = array<i32>} : memref<256xi32, #tpu.memory_space<vmem>>, vector<16xi32>,
        %get3A_570 = arith.constant 80 : index
        %get3A_571 = tpu.vector_load %arg5[%get3A_570] {strides = array<i32>} : memref<256xi32, #tpu.memory_space<vmem>>, vector<16xi32>,
        %get3A_572 = vector.shape_cast %get3A_571 : vector<16xi32> to vector<16xi32>
        %and3A_573 = arith.constant -16384 : i32
        %and3A_574 = vector.broadcast %and3A_573 : i32 to vector<16xi32>
        %and3A_575 = arith.andi %get3A_572, %and3A_574 : vector<16xi32>
        %and3A_576 = arith.constant 8191 : i32
        %and3A_577 = vector.broadcast %and3A_576 : i32 to vector<16xi32>
        %and3A_578 = arith.andi %get3A_572, %and3A_577 : vector<16xi32>
        %mul3A_579 = arith.constant 2 : i32
        %mul3A_580 = vector.broadcast %mul3A_579 : i32 to vector<16xi32>
        %mul3A_581 = arith.muli %and3A_578, %mul3A_580 : vector<16xi32>
        %add3A_582 = arith.addi %and3A_575, %mul3A_581 : vector<16xi32>
        %shift_right_arithmetic3A_583 = arith.constant 13 : i32
        %shift_right_arithmetic3A_584 = vector.broadcast %shift_right_arithmetic3A_583 : i32 to vector<16xi32>
        %shift_right_arithmetic3A_585 = arith.shrsi %get3A_572, %shift_right_arithmetic3A_584 : vector<16xi32>
        %and3A_586 = arith.constant 1 : i32
        %and3A_587 = vector.broadcast %and3A_586 : i32 to vector<16xi32>
        %and3A_588 = arith.andi %shift_right_arithmetic3A_585, %and3A_587 : vector<16xi32>
        %add3A_589 = arith.addi %add3A_582, %and3A_588 : vector<16xi32>
        %swap3A_590 = arith.constant 80 : index
        %swap3A_591 = tpu.vector_load %arg5[%swap3A_590] {strides = array<i32>} : memref<256xi32, #tpu.memory_space<vmem>>, vector<16xi32>,
        %swap3A_592 = vector.shape_cast %swap3A_591 : vector<16xi32> to vector<16xi32>
        %swap3A_593 = vector.shape_cast %add3A_589 : vector<16xi32> to vector<16xi32>
        tpu.vector_store %arg5[%swap3A_590], %swap3A_593 {strides = array<i32>} : memref<256xi32, #tpu.memory_space<vmem>>, vector<16xi32>,
        %get3A_594 = arith.constant 96 : index
        %get3A_595 = tpu.vector_load %arg5[%get3A_594] {strides = array<i32>} : memref<256xi32, #tpu.memory_space<vmem>>, vector<16xi32>,
        %get3A_596 = vector.shape_cast %get3A_595 : vector<16xi32> to vector<16xi32>
        %and3A_597 = arith.constant -16384 : i32
        %and3A_598 = vector.broadcast %and3A_597 : i32 to vector<16xi32>
        %and3A_599 = arith.andi %get3A_596, %and3A_598 : vector<16xi32>
        %and3A_600 = arith.constant 8191 : i32
        %and3A_601 = vector.broadcast %and3A_600 : i32 to vector<16xi32>
        %and3A_602 = arith.andi %get3A_596, %and3A_601 : vector<16xi32>
        %mul3A_603 = arith.constant 2 : i32
        %mul3A_604 = vector.broadcast %mul3A_603 : i32 to vector<16xi32>
        %mul3A_605 = arith.muli %and3A_602, %mul3A_604 : vector<16xi32>
        %add3A_606 = arith.addi %and3A_599, %mul3A_605 : vector<16xi32>
        %shift_right_arithmetic3A_607 = arith.constant 13 : i32
        %shift_right_arithmetic3A_608 = vector.broadcast %shift_right_arithmetic3A_607 : i32 to vector<16xi32>
        %shift_right_arithmetic3A_609 = arith.shrsi %get3A_596, %shift_right_arithmetic3A_608 : vector<16xi32>
        %and3A_610 = arith.constant 1 : i32
        %and3A_611 = vector.broadcast %and3A_610 : i32 to vector<16xi32>
        %and3A_612 = arith.andi %shift_right_arithmetic3A_609, %and3A_611 : vector<16xi32>
        %add3A_613 = arith.addi %add3A_606, %and3A_612 : vector<16xi32>
        %swap3A_614 = arith.constant 96 : index
        %swap3A_615 = tpu.vector_load %arg5[%swap3A_614] {strides = array<i32>} : memref<256xi32, #tpu.memory_space<vmem>>, vector<16xi32>,
        %swap3A_616 = vector.shape_cast %swap3A_615 : vector<16xi32> to vector<16xi32>
        %swap3A_617 = vector.shape_cast %add3A_613 : vector<16xi32> to vector<16xi32>
        tpu.vector_store %arg5[%swap3A_614], %swap3A_617 {strides = array<i32>} : memref<256xi32, #tpu.memory_space<vmem>>, vector<16xi32>,
        %get3A_618 = arith.constant 112 : index
        %get3A_619 = tpu.vector_load %arg5[%get3A_618] {strides = array<i32>} : memref<256xi32, #tpu.memory_space<vmem>>, vector<16xi32>,
        %get3A_620 = vector.shape_cast %get3A_619 : vector<16xi32> to vector<16xi32>
        %and3A_621 = arith.constant -16384 : i32
        %and3A_622 = vector.broadcast %and3A_621 : i32 to vector<16xi32>
        %and3A_623 = arith.andi %get3A_620, %and3A_622 : vector<16xi32>
        %and3A_624 = arith.constant 8191 : i32
        %and3A_625 = vector.broadcast %and3A_624 : i32 to vector<16xi32>
        %and3A_626 = arith.andi %get3A_620, %and3A_625 : vector<16xi32>
        %mul3A_627 = arith.constant 2 : i32
        %mul3A_628 = vector.broadcast %mul3A_627 : i32 to vector<16xi32>
        %mul3A_629 = arith.muli %and3A_626, %mul3A_628 : vector<16xi32>
        %add3A_630 = arith.addi %and3A_623, %mul3A_629 : vector<16xi32>
        %shift_right_arithmetic3A_631 = arith.constant 13 : i32
        %shift_right_arithmetic3A_632 = vector.broadcast %shift_right_arithmetic3A_631 : i32 to vector<16xi32>
        %shift_right_arithmetic3A_633 = arith.shrsi %get3A_620, %shift_right_arithmetic3A_632 : vector<16xi32>
        %and3A_634 = arith.constant 1 : i32
        %and3A_635 = vector.broadcast %and3A_634 : i32 to vector<16xi32>
        %and3A_636 = arith.andi %shift_right_arithmetic3A_633, %and3A_635 : vector<16xi32>
        %add3A_637 = arith.addi %add3A_630, %and3A_636 : vector<16xi32>
        %swap3A_638 = arith.constant 112 : index
        %swap3A_639 = tpu.vector_load %arg5[%swap3A_638] {strides = array<i32>} : memref<256xi32, #tpu.memory_space<vmem>>, vector<16xi32>,
        %swap3A_640 = vector.shape_cast %swap3A_639 : vector<16xi32> to vector<16xi32>
        %swap3A_641 = vector.shape_cast %add3A_637 : vector<16xi32> to vector<16xi32>
        tpu.vector_store %arg5[%swap3A_638], %swap3A_641 {strides = array<i32>} : memref<256xi32, #tpu.memory_space<vmem>>, vector<16xi32>,
        %get3A_642 = arith.constant 128 : index
        %get3A_643 = tpu.vector_load %arg5[%get3A_642] {strides = array<i32>} : memref<256xi32, #tpu.memory_space<vmem>>, vector<16xi32>,
        %get3A_644 = vector.shape_cast %get3A_643 : vector<16xi32> to vector<16xi32>
        %and3A_645 = arith.constant -16384 : i32
        %and3A_646 = vector.broadcast %and3A_645 : i32 to vector<16xi32>
        %and3A_647 = arith.andi %get3A_644, %and3A_646 : vector<16xi32>
        %and3A_648 = arith.constant 8191 : i32
        %and3A_649 = vector.broadcast %and3A_648 : i32 to vector<16xi32>
        %and3A_650 = arith.andi %get3A_644, %and3A_649 : vector<16xi32>
        %mul3A_651 = arith.constant 2 : i32
        %mul3A_652 = vector.broadcast %mul3A_651 : i32 to vector<16xi32>
        %mul3A_653 = arith.muli %and3A_650, %mul3A_652 : vector<16xi32>
        %add3A_654 = arith.addi %and3A_647, %mul3A_653 : vector<16xi32>
        %shift_right_arithmetic3A_655 = arith.constant 13 : i32
        %shift_right_arithmetic3A_656 = vector.broadcast %shift_right_arithmetic3A_655 : i32 to vector<16xi32>
        %shift_right_arithmetic3A_657 = arith.shrsi %get3A_644, %shift_right_arithmetic3A_656 : vector<16xi32>
        %and3A_658 = arith.constant 1 : i32
        %and3A_659 = vector.broadcast %and3A_658 : i32 to vector<16xi32>
        %and3A_660 = arith.andi %shift_right_arithmetic3A_657, %and3A_659 : vector<16xi32>
        %add3A_661 = arith.addi %add3A_654, %and3A_660 : vector<16xi32>
        %swap3A_662 = arith.constant 128 : index
        %swap3A_663 = tpu.vector_load %arg5[%swap3A_662] {strides = array<i32>} : memref<256xi32, #tpu.memory_space<vmem>>, vector<16xi32>,
        %swap3A_664 = vector.shape_cast %swap3A_663 : vector<16xi32> to vector<16xi32>
        %swap3A_665 = vector.shape_cast %add3A_661 : vector<16xi32> to vector<16xi32>
        tpu.vector_store %arg5[%swap3A_662], %swap3A_665 {strides = array<i32>} : memref<256xi32, #tpu.memory_space<vmem>>, vector<16xi32>,
        %get3A_666 = arith.constant 144 : index
        %get3A_667 = tpu.vector_load %arg5[%get3A_666] {strides = array<i32>} : memref<256xi32, #tpu.memory_space<vmem>>, vector<16xi32>,
        %get3A_668 = vector.shape_cast %get3A_667 : vector<16xi32> to vector<16xi32>
        %and3A_669 = arith.constant -16384 : i32
        %and3A_670 = vector.broadcast %and3A_669 : i32 to vector<16xi32>
        %and3A_671 = arith.andi %get3A_668, %and3A_670 : vector<16xi32>
        %and3A_672 = arith.constant 8191 : i32
        %and3A_673 = vector.broadcast %and3A_672 : i32 to vector<16xi32>
        %and3A_674 = arith.andi %get3A_668, %and3A_673 : vector<16xi32>
        %mul3A_675 = arith.constant 2 : i32
        %mul3A_676 = vector.broadcast %mul3A_675 : i32 to vector<16xi32>
        %mul3A_677 = arith.muli %and3A_674, %mul3A_676 : vector<16xi32>
        %add3A_678 = arith.addi %and3A_671, %mul3A_677 : vector<16xi32>
        %shift_right_arithmetic3A_679 = arith.constant 13 : i32
        %shift_right_arithmetic3A_680 = vector.broadcast %shift_right_arithmetic3A_679 : i32 to vector<16xi32>
        %shift_right_arithmetic3A_681 = arith.shrsi %get3A_668, %shift_right_arithmetic3A_680 : vector<16xi32>
        %and3A_682 = arith.constant 1 : i32
        %and3A_683 = vector.broadcast %and3A_682 : i32 to vector<16xi32>
        %and3A_684 = arith.andi %shift_right_arithmetic3A_681, %and3A_683 : vector<16xi32>
        %add3A_685 = arith.addi %add3A_678, %and3A_684 : vector<16xi32>
        %swap3A_686 = arith.constant 144 : index
        %swap3A_687 = tpu.vector_load %arg5[%swap3A_686] {strides = array<i32>} : memref<256xi32, #tpu.memory_space<vmem>>, vector<16xi32>,
        %swap3A_688 = vector.shape_cast %swap3A_687 : vector<16xi32> to vector<16xi32>
        %swap3A_689 = vector.shape_cast %add3A_685 : vector<16xi32> to vector<16xi32>
        tpu.vector_store %arg5[%swap3A_686], %swap3A_689 {strides = array<i32>} : memref<256xi32, #tpu.memory_space<vmem>>, vector<16xi32>,
        %get3A_690 = arith.constant 160 : index
        %get3A_691 = tpu.vector_load %arg5[%get3A_690] {strides = array<i32>} : memref<256xi32, #tpu.memory_space<vmem>>, vector<16xi32>,
        %get3A_692 = vector.shape_cast %get3A_691 : vector<16xi32> to vector<16xi32>
        %and3A_693 = arith.constant -16384 : i32
        %and3A_694 = vector.broadcast %and3A_693 : i32 to vector<16xi32>
        %and3A_695 = arith.andi %get3A_692, %and3A_694 : vector<16xi32>
        %and3A_696 = arith.constant 8191 : i32
        %and3A_697 = vector.broadcast %and3A_696 : i32 to vector<16xi32>
        %and3A_698 = arith.andi %get3A_692, %and3A_697 : vector<16xi32>
        %mul3A_699 = arith.constant 2 : i32
        %mul3A_700 = vector.broadcast %mul3A_699 : i32 to vector<16xi32>
        %mul3A_701 = arith.muli %and3A_698, %mul3A_700 : vector<16xi32>
        %add3A_702 = arith.addi %and3A_695, %mul3A_701 : vector<16xi32>
        %shift_right_arithmetic3A_703 = arith.constant 13 : i32
        %shift_right_arithmetic3A_704 = vector.broadcast %shift_right_arithmetic3A_703 : i32 to vector<16xi32>
        %shift_right_arithmetic3A_705 = arith.shrsi %get3A_692, %shift_right_arithmetic3A_704 : vector<16xi32>
        %and3A_706 = arith.constant 1 : i32
        %and3A_707 = vector.broadcast %and3A_706 : i32 to vector<16xi32>
        %and3A_708 = arith.andi %shift_right_arithmetic3A_705, %and3A_707 : vector<16xi32>
        %add3A_709 = arith.addi %add3A_702, %and3A_708 : vector<16xi32>
        %swap3A_710 = arith.constant 160 : index
        %swap3A_711 = tpu.vector_load %arg5[%swap3A_710] {strides = array<i32>} : memref<256xi32, #tpu.memory_space<vmem>>, vector<16xi32>,
        %swap3A_712 = vector.shape_cast %swap3A_711 : vector<16xi32> to vector<16xi32>
        %swap3A_713 = vector.shape_cast %add3A_709 : vector<16xi32> to vector<16xi32>
        tpu.vector_store %arg5[%swap3A_710], %swap3A_713 {strides = array<i32>} : memref<256xi32, #tpu.memory_space<vmem>>, vector<16xi32>,
        %get3A_714 = arith.constant 176 : index
        %get3A_715 = tpu.vector_load %arg5[%get3A_714] {strides = array<i32>} : memref<256xi32, #tpu.memory_space<vmem>>, vector<16xi32>,
        %get3A_716 = vector.shape_cast %get3A_715 : vector<16xi32> to vector<16xi32>
        %and3A_717 = arith.constant -16384 : i32
        %and3A_718 = vector.broadcast %and3A_717 : i32 to vector<16xi32>
        %and3A_719 = arith.andi %get3A_716, %and3A_718 : vector<16xi32>
        %and3A_720 = arith.constant 8191 : i32
        %and3A_721 = vector.broadcast %and3A_720 : i32 to vector<16xi32>
        %and3A_722 = arith.andi %get3A_716, %and3A_721 : vector<16xi32>
        %mul3A_723 = arith.constant 2 : i32
        %mul3A_724 = vector.broadcast %mul3A_723 : i32 to vector<16xi32>
        %mul3A_725 = arith.muli %and3A_722, %mul3A_724 : vector<16xi32>
        %add3A_726 = arith.addi %and3A_719, %mul3A_725 : vector<16xi32>
        %shift_right_arithmetic3A_727 = arith.constant 13 : i32
        %shift_right_arithmetic3A_728 = vector.broadcast %shift_right_arithmetic3A_727 : i32 to vector<16xi32>
        %shift_right_arithmetic3A_729 = arith.shrsi %get3A_716, %shift_right_arithmetic3A_728 : vector<16xi32>
        %and3A_730 = arith.constant 1 : i32
        %and3A_731 = vector.broadcast %and3A_730 : i32 to vector<16xi32>
        %and3A_732 = arith.andi %shift_right_arithmetic3A_729, %and3A_731 : vector<16xi32>
        %add3A_733 = arith.addi %add3A_726, %and3A_732 : vector<16xi32>
        %swap3A_734 = arith.constant 176 : index
        %swap3A_735 = tpu.vector_load %arg5[%swap3A_734] {strides = array<i32>} : memref<256xi32, #tpu.memory_space<vmem>>, vector<16xi32>,
        %swap3A_736 = vector.shape_cast %swap3A_735 : vector<16xi32> to vector<16xi32>
        %swap3A_737 = vector.shape_cast %add3A_733 : vector<16xi32> to vector<16xi32>
        tpu.vector_store %arg5[%swap3A_734], %swap3A_737 {strides = array<i32>} : memref<256xi32, #tpu.memory_space<vmem>>, vector<16xi32>,
        %get3A_738 = arith.constant 192 : index
        %get3A_739 = tpu.vector_load %arg5[%get3A_738] {strides = array<i32>} : memref<256xi32, #tpu.memory_space<vmem>>, vector<16xi32>,
        %get3A_740 = vector.shape_cast %get3A_739 : vector<16xi32> to vector<16xi32>
        %and3A_741 = arith.constant -16384 : i32
        %and3A_742 = vector.broadcast %and3A_741 : i32 to vector<16xi32>
        %and3A_743 = arith.andi %get3A_740, %and3A_742 : vector<16xi32>
        %and3A_744 = arith.constant 8191 : i32
        %and3A_745 = vector.broadcast %and3A_744 : i32 to vector<16xi32>
        %and3A_746 = arith.andi %get3A_740, %and3A_745 : vector<16xi32>
        %mul3A_747 = arith.constant 2 : i32
        %mul3A_748 = vector.broadcast %mul3A_747 : i32 to vector<16xi32>
        %mul3A_749 = arith.muli %and3A_746, %mul3A_748 : vector<16xi32>
        %add3A_750 = arith.addi %and3A_743, %mul3A_749 : vector<16xi32>
        %shift_right_arithmetic3A_751 = arith.constant 13 : i32
        %shift_right_arithmetic3A_752 = vector.broadcast %shift_right_arithmetic3A_751 : i32 to vector<16xi32>
        %shift_right_arithmetic3A_753 = arith.shrsi %get3A_740, %shift_right_arithmetic3A_752 : vector<16xi32>
        %and3A_754 = arith.constant 1 : i32
        %and3A_755 = vector.broadcast %and3A_754 : i32 to vector<16xi32>
        %and3A_756 = arith.andi %shift_right_arithmetic3A_753, %and3A_755 : vector<16xi32>
        %add3A_757 = arith.addi %add3A_750, %and3A_756 : vector<16xi32>
        %swap3A_758 = arith.constant 192 : index
        %swap3A_759 = tpu.vector_load %arg5[%swap3A_758] {strides = array<i32>} : memref<256xi32, #tpu.memory_space<vmem>>, vector<16xi32>,
        %swap3A_760 = vector.shape_cast %swap3A_759 : vector<16xi32> to vector<16xi32>
        %swap3A_761 = vector.shape_cast %add3A_757 : vector<16xi32> to vector<16xi32>
        tpu.vector_store %arg5[%swap3A_758], %swap3A_761 {strides = array<i32>} : memref<256xi32, #tpu.memory_space<vmem>>, vector<16xi32>,
        %get3A_762 = arith.constant 208 : index
        %get3A_763 = tpu.vector_load %arg5[%get3A_762] {strides = array<i32>} : memref<256xi32, #tpu.memory_space<vmem>>, vector<16xi32>,
        %get3A_764 = vector.shape_cast %get3A_763 : vector<16xi32> to vector<16xi32>
        %and3A_765 = arith.constant -16384 : i32
        %and3A_766 = vector.broadcast %and3A_765 : i32 to vector<16xi32>
        %and3A_767 = arith.andi %get3A_764, %and3A_766 : vector<16xi32>
        %and3A_768 = arith.constant 8191 : i32
        %and3A_769 = vector.broadcast %and3A_768 : i32 to vector<16xi32>
        %and3A_770 = arith.andi %get3A_764, %and3A_769 : vector<16xi32>
        %mul3A_771 = arith.constant 2 : i32
        %mul3A_772 = vector.broadcast %mul3A_771 : i32 to vector<16xi32>
        %mul3A_773 = arith.muli %and3A_770, %mul3A_772 : vector<16xi32>
        %add3A_774 = arith.addi %and3A_767, %mul3A_773 : vector<16xi32>
        %shift_right_arithmetic3A_775 = arith.constant 13 : i32
        %shift_right_arithmetic3A_776 = vector.broadcast %shift_right_arithmetic3A_775 : i32 to vector<16xi32>
        %shift_right_arithmetic3A_777 = arith.shrsi %get3A_764, %shift_right_arithmetic3A_776 : vector<16xi32>
        %and3A_778 = arith.constant 1 : i32
        %and3A_779 = vector.broadcast %and3A_778 : i32 to vector<16xi32>
        %and3A_780 = arith.andi %shift_right_arithmetic3A_777, %and3A_779 : vector<16xi32>
        %add3A_781 = arith.addi %add3A_774, %and3A_780 : vector<16xi32>
        %swap3A_782 = arith.constant 208 : index
        %swap3A_783 = tpu.vector_load %arg5[%swap3A_782] {strides = array<i32>} : memref<256xi32, #tpu.memory_space<vmem>>, vector<16xi32>,
        %swap3A_784 = vector.shape_cast %swap3A_783 : vector<16xi32> to vector<16xi32>
        %swap3A_785 = vector.shape_cast %add3A_781 : vector<16xi32> to vector<16xi32>
        tpu.vector_store %arg5[%swap3A_782], %swap3A_785 {strides = array<i32>} : memref<256xi32, #tpu.memory_space<vmem>>, vector<16xi32>,
        %get3A_786 = arith.constant 224 : index
        %get3A_787 = tpu.vector_load %arg5[%get3A_786] {strides = array<i32>} : memref<256xi32, #tpu.memory_space<vmem>>, vector<16xi32>,
        %get3A_788 = vector.shape_cast %get3A_787 : vector<16xi32> to vector<16xi32>
        %and3A_789 = arith.constant -16384 : i32
        %and3A_790 = vector.broadcast %and3A_789 : i32 to vector<16xi32>
        %and3A_791 = arith.andi %get3A_788, %and3A_790 : vector<16xi32>
        %and3A_792 = arith.constant 8191 : i32
        %and3A_793 = vector.broadcast %and3A_792 : i32 to vector<16xi32>
        %and3A_794 = arith.andi %get3A_788, %and3A_793 : vector<16xi32>
        %mul3A_795 = arith.constant 2 : i32
        %mul3A_796 = vector.broadcast %mul3A_795 : i32 to vector<16xi32>
        %mul3A_797 = arith.muli %and3A_794, %mul3A_796 : vector<16xi32>
        %add3A_798 = arith.addi %and3A_791, %mul3A_797 : vector<16xi32>
        %shift_right_arithmetic3A_799 = arith.constant 13 : i32
        %shift_right_arithmetic3A_800 = vector.broadcast %shift_right_arithmetic3A_799 : i32 to vector<16xi32>
        %shift_right_arithmetic3A_801 = arith.shrsi %get3A_788, %shift_right_arithmetic3A_800 : vector<16xi32>
        %and3A_802 = arith.constant 1 : i32
        %and3A_803 = vector.broadcast %and3A_802 : i32 to vector<16xi32>
        %and3A_804 = arith.andi %shift_right_arithmetic3A_801, %and3A_803 : vector<16xi32>
        %add3A_805 = arith.addi %add3A_798, %and3A_804 : vector<16xi32>
        %swap3A_806 = arith.constant 224 : index
        %swap3A_807 = tpu.vector_load %arg5[%swap3A_806] {strides = array<i32>} : memref<256xi32, #tpu.memory_space<vmem>>, vector<16xi32>,
        %swap3A_808 = vector.shape_cast %swap3A_807 : vector<16xi32> to vector<16xi32>
        %swap3A_809 = vector.shape_cast %add3A_805 : vector<16xi32> to vector<16xi32>
        tpu.vector_store %arg5[%swap3A_806], %swap3A_809 {strides = array<i32>} : memref<256xi32, #tpu.memory_space<vmem>>, vector<16xi32>,
        %get3A_810 = arith.constant 240 : index
        %get3A_811 = tpu.vector_load %arg5[%get3A_810] {strides = array<i32>} : memref<256xi32, #tpu.memory_space<vmem>>, vector<16xi32>,
        %get3A_812 = vector.shape_cast %get3A_811 : vector<16xi32> to vector<16xi32>
        %and3A_813 = arith.constant -16384 : i32
        %and3A_814 = vector.broadcast %and3A_813 : i32 to vector<16xi32>
        %and3A_815 = arith.andi %get3A_812, %and3A_814 : vector<16xi32>
        %and3A_816 = arith.constant 8191 : i32
        %and3A_817 = vector.broadcast %and3A_816 : i32 to vector<16xi32>
        %and3A_818 = arith.andi %get3A_812, %and3A_817 : vector<16xi32>
        %mul3A_819 = arith.constant 2 : i32
        %mul3A_820 = vector.broadcast %mul3A_819 : i32 to vector<16xi32>
        %mul3A_821 = arith.muli %and3A_818, %mul3A_820 : vector<16xi32>
        %add3A_822 = arith.addi %and3A_815, %mul3A_821 : vector<16xi32>
        %shift_right_arithmetic3A_823 = arith.constant 13 : i32
        %shift_right_arithmetic3A_824 = vector.broadcast %shift_right_arithmetic3A_823 : i32 to vector<16xi32>
        %shift_right_arithmetic3A_825 = arith.shrsi %get3A_812, %shift_right_arithmetic3A_824 : vector<16xi32>
        %and3A_826 = arith.constant 1 : i32
        %and3A_827 = vector.broadcast %and3A_826 : i32 to vector<16xi32>
        %and3A_828 = arith.andi %shift_right_arithmetic3A_825, %and3A_827 : vector<16xi32>
        %add3A_829 = arith.addi %add3A_822, %and3A_828 : vector<16xi32>
        %swap3A_830 = arith.constant 240 : index
        %swap3A_831 = tpu.vector_load %arg5[%swap3A_830] {strides = array<i32>} : memref<256xi32, #tpu.memory_space<vmem>>, vector<16xi32>,
        %swap3A_832 = vector.shape_cast %swap3A_831 : vector<16xi32> to vector<16xi32>
        %swap3A_833 = vector.shape_cast %add3A_829 : vector<16xi32> to vector<16xi32>
        tpu.vector_store %arg5[%swap3A_830], %swap3A_833 {strides = array<i32>} : memref<256xi32, #tpu.memory_space<vmem>>, vector<16xi32>,
        %dma_start3A_834 = arith.constant 0 : i32
        %dma_start3A_835 = arith.constant 0 : i32
        %dma_start3A_836 = tpu.memref_slice %arg3[%dma_start3A_834, %dma_start3A_835] : memref<1015808x64xf32, #tpu.memory_space<hbm>> -> memref<1015808x64xf32, #tpu.memory_space<hbm>>
        tpu.enqueue_indirect_dma source(%dma_start3A_836 : memref<1015808x64xf32, #tpu.memory_space<hbm>>) target(%arg7 : memref<256x64xf32, #tpu.memory_space<vmem>>) offsets(%arg5 : memref<256xi32, #tpu.memory_space<vmem>>) semaphore(%arg11 : memref<!tpu.dma_semaphore, #tpu.memory_space<semaphore_mem>>)
      } else {
      }
      %mul3A_432 = arith.constant 256 : i32
      %mul3A_433 = arith.muli %add3A_423, %mul3A_432 : i32
      %add3A_434 = arith.addi %mul3A_2, %mul3A_433 : i32
      "tpu.region"() ({
        %run_scoped3A = tpu.sem_alloc : memref<!tpu.dma_semaphore, #tpu.memory_space<semaphore_mem>>
        %dma_start3A_436 = arith.constant 0 : i32
        %dma_start3A_437 = tpu.memref_slice %arg4[%add3A_434, %dma_start3A_436] : memref<819200x64xf32, #tpu.memory_space<hbm>> -> memref<256x64xf32, #tpu.memory_space<hbm>>
        %dma_start3A_438 = arith.constant 0 : i32
        %dma_start3A_439 = tpu.memref_slice %arg4[%add3A_434, %dma_start3A_438] : memref<819200x64xf32, #tpu.memory_space<hbm>> -> memref<256x64xf32, #tpu.memory_space<hbm>>
        tpu.enqueue_dma source(%arg8 : memref<256x64xf32, #tpu.memory_space<vmem>>) target(%dma_start3A_439 : memref<256x64xf32, #tpu.memory_space<hbm>>) target_semaphore(%run_scoped3A : memref<!tpu.dma_semaphore, #tpu.memory_space<semaphore_mem>>)
        %dma_wait3A_440 = arith.constant 0 : i32
        %dma_wait3A_441 = tpu.memref_slice %arg4[%add3A_434, %dma_wait3A_440] : memref<819200x64xf32, #tpu.memory_space<hbm>> -> memref<256x64xf32, #tpu.memory_space<hbm>>
        %dma_wait3A_442 = arith.constant 0 : i32
        %dma_wait3A_443 = tpu.memref_slice %arg4[%add3A_434, %dma_wait3A_442] : memref<819200x64xf32, #tpu.memory_space<hbm>> -> memref<256x64xf32, #tpu.memory_space<hbm>>
        tpu.wait_dma2 semaphore(%run_scoped3A : memref<!tpu.dma_semaphore, #tpu.memory_space<semaphore_mem>>) src(%arg8 : memref<256x64xf32, #tpu.memory_space<vmem>>) dst(%dma_wait3A_443 : memref<256x64xf32, #tpu.memory_space<hbm>>)
        tpu.yield
      }) : () -> ()
      %scan3A_435 = arith.constant 0 : i32
      scf.yield %scan3A_435 : i32
    }
    %scan3A_401 = arith.constant 50 : i32
    return
  }
}

module attributes {stable_mosaic.version = 14 : i64} {
  func.func @body(%arg0: i32, %arg1: memref<64x16384xf32, #tpu.memory_space<vmem>>, %arg2: memref<8192x128xf32, #tpu.memory_space<vmem>>) attributes {dimension_semantics = [#tpu.dimension_semantics<arbitrary>], iteration_bounds = array<i64: 62>, scalar_prefetch = 0 : i64, scratch_operands = 0 : i64, tpu.core_type = #tpu.core_type<tc>, window_params = [{transform_indices = @transform_0, window_bounds = array<i64: 64, 16384>}, {transform_indices = @transform_1, window_bounds = array<i64: 8192, 128>}]} {
    %get3A = arith.constant 0 : index
    %get3A_0 = arith.constant 0 : index
    %get3A_1 = vector.load %arg1[%get3A, %get3A_0] : memref<64x16384xf32, #tpu.memory_space<vmem>>, vector<64x16384xf32>
    %transpose3A = tpu.transpose %get3A_1, [1, 0] : vector<64x16384xf32> -> vector<16384x64xf32>
    %slice3A = vector.extract_strided_slice %transpose3A {offsets = [0, 0], sizes = [8192, 64], strides = [1, 1]} : vector<16384x64xf32> to vector<8192x64xf32>
    %slice3A_2 = vector.extract_strided_slice %transpose3A {offsets = [8192, 0], sizes = [8192, 64], strides = [1, 1]} : vector<16384x64xf32> to vector<8192x64xf32>
    %concatenate3A = tpu.concatenate %slice3A, %slice3A_2 in 1 : vector<8192x64xf32>, vector<8192x64xf32> -> vector<8192x128xf32>
    %swap3A = arith.constant 0 : index
    %swap3A_3 = arith.constant 0 : index
    %swap3A_4 = vector.load %arg2[%swap3A, %swap3A_3] : memref<8192x128xf32, #tpu.memory_space<vmem>>, vector<8192x128xf32>
    tpu.vector_store %arg2[%swap3A, %swap3A_3], %concatenate3A {strides = array<i32>} : memref<8192x128xf32, #tpu.memory_space<vmem>>, vector<8192x128xf32>,
    return
  }
  func.func @transform_0(%arg0: i32) -> (i32, i32) {
    %c0_i32 = arith.constant 0 : i32
    %c0_i32_0 = arith.constant 0 : i32
    return %c0_i32, %arg0 : i32, i32
  }
  func.func @transform_1(%arg0: i32) -> (i32, i32) {
    %c0_i32 = arith.constant 0 : i32
    %c0_i32_0 = arith.constant 0 : i32
    return %arg0, %c0_i32 : i32, i32
  }
}

module attributes {stable_mosaic.version = 14 : i64} {
  func.func @body(%arg0: i32, %arg1: i32, %arg2: memref<1x8x64x128xf32, #tpu.memory_space<vmem>>, %arg3: memref<1x8x8x8x128xf32, #tpu.memory_space<vmem>>) attributes {dimension_semantics = [#tpu.dimension_semantics<arbitrary>, #tpu.dimension_semantics<arbitrary>], iteration_bounds = array<i64: 200, 4>, scalar_prefetch = 0 : i64, scratch_operands = 0 : i64, tpu.core_type = #tpu.core_type<tc>, window_params = [{transform_indices = @transform_0, window_bounds = array<i64: 1, 8, 64, 128>}, {transform_indices = @transform_1, window_bounds = array<i64: 1, 8, 8, 8, 128>}]} {
    %get3A = arith.constant 0 : index
    %get3A_0 = arith.constant 0 : index
    %get3A_1 = arith.constant 0 : index
    %get3A_2 = arith.constant 0 : index
    %get3A_3 = vector.load %arg2[%get3A, %get3A_0, %get3A_1, %get3A_2] : memref<1x8x64x128xf32, #tpu.memory_space<vmem>>, vector<1x8x64x128xf32>
    %get3A_4 = vector.shape_cast %get3A_3 : vector<1x8x64x128xf32> to vector<8x64x128xf32>
    %iota3A = tpu.iota {dimensions = array<i32: 1>} : vector<64x128xi32>
    %iota3A_5 = tpu.iota {dimensions = array<i32: 0>} : vector<64x128xi32>
    %mul3A = arith.constant 2 : i32
    %mul3A_6 = vector.broadcast %mul3A : i32 to vector<64x128xi32>
    %mul3A_7 = arith.muli %mul3A_6, %iota3A_5 : vector<64x128xi32>
    %eq3A = arith.cmpi eq, %iota3A, %mul3A_7 : vector<64x128xi32>
    %convert_element_type3A = arith.extui %eq3A : vector<64x128xi1> to vector<64x128xi32>
    %convert_element_type3A_8 = arith.sitofp %convert_element_type3A : vector<64x128xi32> to vector<64x128xf32>
    %convert_element_type3A_9 = arith.truncf %convert_element_type3A_8 : vector<64x128xf32> to vector<64x128xbf16>
    %mul3A_10 = arith.constant 2 : i32
    %mul3A_11 = vector.broadcast %mul3A_10 : i32 to vector<64x128xi32>
    %mul3A_12 = arith.muli %mul3A_11, %iota3A_5 : vector<64x128xi32>
    %add3A = arith.constant 1 : i32
    %add3A_13 = vector.broadcast %add3A : i32 to vector<64x128xi32>
    %add3A_14 = arith.addi %mul3A_12, %add3A_13 : vector<64x128xi32>
    %eq3A_15 = arith.cmpi eq, %iota3A, %add3A_14 : vector<64x128xi32>
    %convert_element_type3A_16 = arith.extui %eq3A_15 : vector<64x128xi1> to vector<64x128xi32>
    %convert_element_type3A_17 = arith.sitofp %convert_element_type3A_16 : vector<64x128xi32> to vector<64x128xf32>
    %convert_element_type3A_18 = arith.truncf %convert_element_type3A_17 : vector<64x128xf32> to vector<64x128xbf16>
    %convert_element_type3A_19 = arith.truncf %get3A_4 : vector<8x64x128xf32> to vector<8x64x128xbf16>
    %slice3A = vector.extract_strided_slice %convert_element_type3A_19 {offsets = [0, 0, 0], sizes = [8, 64, 64], strides = [1, 1, 1]} : vector<8x64x128xbf16> to vector<8x64x64xbf16>
    %dot_general3A = arith.constant dense<0.000000e+00> : vector<8x64x128xf32>
    %dot_general3A_20 = tpu.matmul %slice3A, %convert_element_type3A_9, %dot_general3A {dimension_numbers = #tpu.dot_dimension_numbers<[1], [0], [0, 2], [1], [0, 0, 0, 2, 1, 1], [], []>, transpose_lhs_hint = false} : vector<8x64x64xbf16>, vector<64x128xbf16>, vector<8x64x128xf32> -> vector<8x64x128xf32>
    %slice3A_21 = vector.extract_strided_slice %convert_element_type3A_19 {offsets = [0, 0, 64], sizes = [8, 64, 64], strides = [1, 1, 1]} : vector<8x64x128xbf16> to vector<8x64x64xbf16>
    %dot_general3A_22 = arith.constant dense<0.000000e+00> : vector<8x64x128xf32>
    %dot_general3A_23 = tpu.matmul %slice3A_21, %convert_element_type3A_18, %dot_general3A_22 {dimension_numbers = #tpu.dot_dimension_numbers<[1], [0], [0, 2], [1], [0, 0, 0, 2, 1, 1], [], []>, transpose_lhs_hint = false} : vector<8x64x64xbf16>, vector<64x128xbf16>, vector<8x64x128xf32> -> vector<8x64x128xf32>
    %add3A_24 = arith.addf %dot_general3A_20, %dot_general3A_23 : vector<8x64x128xf32>
    %mul3A_25 = arith.constant 8.000000e+00 : f32
    %mul3A_26 = vector.broadcast %mul3A_25 : f32 to vector<8x64x128xf32>
    %mul3A_27 = arith.mulf %add3A_24, %mul3A_26 : vector<8x64x128xf32>
    %slice3A_28 = vector.extract_strided_slice %mul3A_27 {offsets = [0, 0, 0], sizes = [8, 8, 128], strides = [1, 1, 1]} : vector<8x64x128xf32> to vector<8x8x128xf32>
    %swap3A = arith.constant 0 : index
    %swap3A_29 = arith.constant 0 : index
    %swap3A_30 = arith.constant 0 : index
    %swap3A_31 = arith.constant 0 : index
    %swap3A_32 = arith.constant 0 : index
    %swap3A_33 = vector.load %arg3[%swap3A, %swap3A_29, %swap3A_30, %swap3A_31, %swap3A_32] : memref<1x8x8x8x128xf32, #tpu.memory_space<vmem>>, vector<1x1x8x8x128xf32>
    %swap3A_34 = vector.shape_cast %swap3A_33 : vector<1x1x8x8x128xf32> to vector<8x8x128xf32>
    %swap3A_35 = vector.shape_cast %slice3A_28 : vector<8x8x128xf32> to vector<1x1x8x8x128xf32>
    tpu.vector_store %arg3[%swap3A, %swap3A_29, %swap3A_30, %swap3A_31, %swap3A_32], %swap3A_35 {strides = array<i32>} : memref<1x8x8x8x128xf32, #tpu.memory_space<vmem>>, vector<1x1x8x8x128xf32>,
    %slice3A_36 = vector.extract_strided_slice %mul3A_27 {offsets = [0, 8, 0], sizes = [8, 8, 128], strides = [1, 1, 1]} : vector<8x64x128xf32> to vector<8x8x128xf32>
    %swap3A_37 = arith.constant 0 : index
    %swap3A_38 = arith.constant 1 : index
    %swap3A_39 = arith.constant 0 : index
    %swap3A_40 = arith.constant 0 : index
    %swap3A_41 = arith.constant 0 : index
    %swap3A_42 = vector.load %arg3[%swap3A_37, %swap3A_38, %swap3A_39, %swap3A_40, %swap3A_41] : memref<1x8x8x8x128xf32, #tpu.memory_space<vmem>>, vector<1x1x8x8x128xf32>
    %swap3A_43 = vector.shape_cast %swap3A_42 : vector<1x1x8x8x128xf32> to vector<8x8x128xf32>
    %swap3A_44 = vector.shape_cast %slice3A_36 : vector<8x8x128xf32> to vector<1x1x8x8x128xf32>
    tpu.vector_store %arg3[%swap3A_37, %swap3A_38, %swap3A_39, %swap3A_40, %swap3A_41], %swap3A_44 {strides = array<i32>} : memref<1x8x8x8x128xf32, #tpu.memory_space<vmem>>, vector<1x1x8x8x128xf32>,
    %slice3A_45 = vector.extract_strided_slice %mul3A_27 {offsets = [0, 16, 0], sizes = [8, 8, 128], strides = [1, 1, 1]} : vector<8x64x128xf32> to vector<8x8x128xf32>
    %swap3A_46 = arith.constant 0 : index
    %swap3A_47 = arith.constant 2 : index
    %swap3A_48 = arith.constant 0 : index
    %swap3A_49 = arith.constant 0 : index
    %swap3A_50 = arith.constant 0 : index
    %swap3A_51 = vector.load %arg3[%swap3A_46, %swap3A_47, %swap3A_48, %swap3A_49, %swap3A_50] : memref<1x8x8x8x128xf32, #tpu.memory_space<vmem>>, vector<1x1x8x8x128xf32>
    %swap3A_52 = vector.shape_cast %swap3A_51 : vector<1x1x8x8x128xf32> to vector<8x8x128xf32>
    %swap3A_53 = vector.shape_cast %slice3A_45 : vector<8x8x128xf32> to vector<1x1x8x8x128xf32>
    tpu.vector_store %arg3[%swap3A_46, %swap3A_47, %swap3A_48, %swap3A_49, %swap3A_50], %swap3A_53 {strides = array<i32>} : memref<1x8x8x8x128xf32, #tpu.memory_space<vmem>>, vector<1x1x8x8x128xf32>,
    %slice3A_54 = vector.extract_strided_slice %mul3A_27 {offsets = [0, 24, 0], sizes = [8, 8, 128], strides = [1, 1, 1]} : vector<8x64x128xf32> to vector<8x8x128xf32>
    %swap3A_55 = arith.constant 0 : index
    %swap3A_56 = arith.constant 3 : index
    %swap3A_57 = arith.constant 0 : index
    %swap3A_58 = arith.constant 0 : index
    %swap3A_59 = arith.constant 0 : index
    %swap3A_60 = vector.load %arg3[%swap3A_55, %swap3A_56, %swap3A_57, %swap3A_58, %swap3A_59] : memref<1x8x8x8x128xf32, #tpu.memory_space<vmem>>, vector<1x1x8x8x128xf32>
    %swap3A_61 = vector.shape_cast %swap3A_60 : vector<1x1x8x8x128xf32> to vector<8x8x128xf32>
    %swap3A_62 = vector.shape_cast %slice3A_54 : vector<8x8x128xf32> to vector<1x1x8x8x128xf32>
    tpu.vector_store %arg3[%swap3A_55, %swap3A_56, %swap3A_57, %swap3A_58, %swap3A_59], %swap3A_62 {strides = array<i32>} : memref<1x8x8x8x128xf32, #tpu.memory_space<vmem>>, vector<1x1x8x8x128xf32>,
    %slice3A_63 = vector.extract_strided_slice %mul3A_27 {offsets = [0, 32, 0], sizes = [8, 8, 128], strides = [1, 1, 1]} : vector<8x64x128xf32> to vector<8x8x128xf32>
    %swap3A_64 = arith.constant 0 : index
    %swap3A_65 = arith.constant 4 : index
    %swap3A_66 = arith.constant 0 : index
    %swap3A_67 = arith.constant 0 : index
    %swap3A_68 = arith.constant 0 : index
    %swap3A_69 = vector.load %arg3[%swap3A_64, %swap3A_65, %swap3A_66, %swap3A_67, %swap3A_68] : memref<1x8x8x8x128xf32, #tpu.memory_space<vmem>>, vector<1x1x8x8x128xf32>
    %swap3A_70 = vector.shape_cast %swap3A_69 : vector<1x1x8x8x128xf32> to vector<8x8x128xf32>
    %swap3A_71 = vector.shape_cast %slice3A_63 : vector<8x8x128xf32> to vector<1x1x8x8x128xf32>
    tpu.vector_store %arg3[%swap3A_64, %swap3A_65, %swap3A_66, %swap3A_67, %swap3A_68], %swap3A_71 {strides = array<i32>} : memref<1x8x8x8x128xf32, #tpu.memory_space<vmem>>, vector<1x1x8x8x128xf32>,
    %slice3A_72 = vector.extract_strided_slice %mul3A_27 {offsets = [0, 40, 0], sizes = [8, 8, 128], strides = [1, 1, 1]} : vector<8x64x128xf32> to vector<8x8x128xf32>
    %swap3A_73 = arith.constant 0 : index
    %swap3A_74 = arith.constant 5 : index
    %swap3A_75 = arith.constant 0 : index
    %swap3A_76 = arith.constant 0 : index
    %swap3A_77 = arith.constant 0 : index
    %swap3A_78 = vector.load %arg3[%swap3A_73, %swap3A_74, %swap3A_75, %swap3A_76, %swap3A_77] : memref<1x8x8x8x128xf32, #tpu.memory_space<vmem>>, vector<1x1x8x8x128xf32>
    %swap3A_79 = vector.shape_cast %swap3A_78 : vector<1x1x8x8x128xf32> to vector<8x8x128xf32>
    %swap3A_80 = vector.shape_cast %slice3A_72 : vector<8x8x128xf32> to vector<1x1x8x8x128xf32>
    tpu.vector_store %arg3[%swap3A_73, %swap3A_74, %swap3A_75, %swap3A_76, %swap3A_77], %swap3A_80 {strides = array<i32>} : memref<1x8x8x8x128xf32, #tpu.memory_space<vmem>>, vector<1x1x8x8x128xf32>,
    %slice3A_81 = vector.extract_strided_slice %mul3A_27 {offsets = [0, 48, 0], sizes = [8, 8, 128], strides = [1, 1, 1]} : vector<8x64x128xf32> to vector<8x8x128xf32>
    %swap3A_82 = arith.constant 0 : index
    %swap3A_83 = arith.constant 6 : index
    %swap3A_84 = arith.constant 0 : index
    %swap3A_85 = arith.constant 0 : index
    %swap3A_86 = arith.constant 0 : index
    %swap3A_87 = vector.load %arg3[%swap3A_82, %swap3A_83, %swap3A_84, %swap3A_85, %swap3A_86] : memref<1x8x8x8x128xf32, #tpu.memory_space<vmem>>, vector<1x1x8x8x128xf32>
    %swap3A_88 = vector.shape_cast %swap3A_87 : vector<1x1x8x8x128xf32> to vector<8x8x128xf32>
    %swap3A_89 = vector.shape_cast %slice3A_81 : vector<8x8x128xf32> to vector<1x1x8x8x128xf32>
    tpu.vector_store %arg3[%swap3A_82, %swap3A_83, %swap3A_84, %swap3A_85, %swap3A_86], %swap3A_89 {strides = array<i32>} : memref<1x8x8x8x128xf32, #tpu.memory_space<vmem>>, vector<1x1x8x8x128xf32>,
    %slice3A_90 = vector.extract_strided_slice %mul3A_27 {offsets = [0, 56, 0], sizes = [8, 8, 128], strides = [1, 1, 1]} : vector<8x64x128xf32> to vector<8x8x128xf32>
    %swap3A_91 = arith.constant 0 : index
    %swap3A_92 = arith.constant 7 : index
    %swap3A_93 = arith.constant 0 : index
    %swap3A_94 = arith.constant 0 : index
    %swap3A_95 = arith.constant 0 : index
    %swap3A_96 = vector.load %arg3[%swap3A_91, %swap3A_92, %swap3A_93, %swap3A_94, %swap3A_95] : memref<1x8x8x8x128xf32, #tpu.memory_space<vmem>>, vector<1x1x8x8x128xf32>
    %swap3A_97 = vector.shape_cast %swap3A_96 : vector<1x1x8x8x128xf32> to vector<8x8x128xf32>
    %swap3A_98 = vector.shape_cast %slice3A_90 : vector<8x8x128xf32> to vector<1x1x8x8x128xf32>
    tpu.vector_store %arg3[%swap3A_91, %swap3A_92, %swap3A_93, %swap3A_94, %swap3A_95], %swap3A_98 {strides = array<i32>} : memref<1x8x8x8x128xf32, #tpu.memory_space<vmem>>, vector<1x1x8x8x128xf32>,
    return
  }
  func.func @transform_0(%arg0: i32, %arg1: i32) -> (i32, i32, i32, i32) {
    %c0_i32 = arith.constant 0 : i32
    %c0_i32_0 = arith.constant 0 : i32
    %c0_i32_1 = arith.constant 0 : i32
    return %arg0, %arg1, %c0_i32, %c0_i32_0 : i32, i32, i32, i32
  }
  func.func @transform_1(%arg0: i32, %arg1: i32) -> (i32, i32, i32, i32, i32) {
    %c0_i32 = arith.constant 0 : i32
    %c0_i32_0 = arith.constant 0 : i32
    %c0_i32_1 = arith.constant 0 : i32
    %c0_i32_2 = arith.constant 0 : i32
    return %arg0, %c0_i32, %arg1, %c0_i32_0, %c0_i32_1 : i32, i32, i32, i32, i32
  }
}

</mosaic_0001>

<sc_bundles>
// kernel: kernel.5.cloned.1.call-start
scs
__scs_entry_jumppad:
0x0: {  	(pc) =	sbr.rel $0x88, $3  }
0x1: {  	(tag) =	ssettag $0x0;
	lr =	simm.s32 $0x1  }
0x2: {  	[smem:$0x3F9F] =	sst lr;
	_ =	strace $0xD0000000  }
0x3: {  	_ = 	snop  }
0x4: {  	_ = 	snop  }
0x5: {  	_ = 	snop  }
0x6: {  	_ = 	snop  }
0x7: {  	_ = 	snop  }
__scs_overlays_trampoline_lowered:
0x8: {  	[smem:$0x3FAE] =	sst s0  }
0x9: {  	[smem:$0x3FAF] =	sst s1  }
0xa: {  	[smem:$0x3FB0] =	sst s2  }
0xb: {  	[smem:$0x3FB1] =	sst s3  }
0xc: {  	[smem:$0x3FB2] =	sst s4  }
0xd: {  	[smem:$0x3FB3] =	sst s5  }
0xe: {  	[smem:$0x3FB4] =	sst s6  }
0xf: {  	[smem:$0x3FB5] =	sst s7  }
0x10: {  	[smem:$0x3FB6] =	sst s8  }
0x11: {  	[smem:$0x3FB7] =	sst s9;
	s0 =	simm.s32 @!p0 $0x0  }
0x12: {  	s1 =	sld [smem:$0x3F9D];
	s0 =	simm.s32 @p0 $0x1  }
0x13: {  	[smem:$0x3FB8] =	sst s0;
	s0 =	simm.s32 @!p1 $0x0  }
0x14: {  	s2 =	sld [smem:$0x3F9C];
	s0 =	simm.s32 @p1 $0x1  }
0x15: {  	[smem:$0x3FB9] =	sst s0;
	s0 =	simm.s32 @!p2 $0x0  }
0x16: {  	s3 =	sld [smem:$0x3FDB];
	s0 =	simm.s32 @p2 $0x1  }
0x17: {  	s4 =	simm.s32 $0x1BF5;
	[smem:$0x3FBB] =	sst s0  }
0x18: {  	s0 =	sld [smem:$0x3F9E];
	_ =	swait.ge [sflag:s4], $0x0  }
0x19: {  	s7 =	sld [smem:$0x3F9F]  }
0x1a: {  	s8 =	sadd.s32 $0xFFFFE003, lr  }
0x1b: {  	s9 =	sadd.s32 $0xFFFFFEF7, lr;
	s5 =	simm.s32 $0xFFFFFFFF;
	p2 =	slt.u32 s8, $0xFFFFF086  }
0x1c: {  	p1 =	slt.u32 s9, $0xF7A;
	s5 =	simm.s32 @!p2 $0x0  }
0x1d: {  	s5 =	simm.s32 @p1 $0x1;
	p0 =	seq.s32 s7, s2  }
0x1e: {  	s7 =	smul.u32 @!p0 $0xF7A, s2;
	p2 =	seq.s32 @!p0 s5, $0x0  }
0x1f: {  	s9 =	smul.u32 $0xF7A, s1;
	s8 =	simm.s32 @!p0 $0x1BF5;
	p2 =	por !p2, p0  }
0x20: {  	[sflag:s8] =	ssyncset.s32 @!p0 $0xFFFFF086;
	s6 =	sadd.s32 @!p0 s3, s7;
	s7 =	simm.s32 @!p0 $0x108  }
0x21: {  	s3 =	sadd.s32 s3, s9;
	s6 =	sadd.s32 @!p0 $0x88, s6;
	s7 =	simm.s32 @p2 $0x1082  }
0x22: {  	[simem:s7], [sflag:s8] =	dma.local @!p0 [hbm:s6], $0xF7A  }
0x23: {  	s9 =	sor.u32 $0xD0000000, s2;
	s6 =	simm.s32 $0x108;
	_ =	swait.ge @!p0 [sflag:s8], $0x0  }
0x24: {  	s3 =	sadd.s32 $0x88, s3;
	s6 =	simm.s32 @!p1 $0x1082;
	[sflag:s4] =	ssyncset.s32 $0xFFFFF086  }
0x25: {  	[simem:s6], [sflag:s4] =	dma.local [hbm:s3], $0xF7A  }
0x26: {  	[smem:$0x3F9F] =	sst s1;
	(tag) =	ssettag s2;
	_ =	strace s9  }
0x27: {  	s1 =	sld [smem:$0x3FAF]  }
0x28: {  	s2 =	sld [smem:$0x3FB0]  }
0x29: {  	s4 =	sld [smem:$0x3FB2]  }
0x2a: {  	p0 =	seq.s32 s5, $0x0;
	s5 =	sld [smem:$0x3FB3]  }
0x2b: {  	s6 =	sld [smem:$0x3FB4]  }
0x2c: {  	s7 =	sld [smem:$0x3FB5]  }
0x2d: {  	s3 =	simm.s32 $0x108;
	s8 =	sld [smem:$0x3FB6]  }
0x2e: {  	s3 =	simm.s32 @!p0 $0x1082;
	s9 =	sld [smem:$0x3FB7]  }
0x2f: {  	lr =	sadd.s32 s0, s3;
	s0 =	sld [smem:$0x3FAE]  }
0x30: {  	s3 =	sld [smem:$0x3FB1]  }
0x31: {  	[smem:$0x3FBA] =	sst s10  }
0x32: {  	s10 =	sld [smem:$0x3FB8];
	_ =	sdelay $0x3  }
0x33: {  	p0 =	seq.s32 s10, $0x1;
	s10 =	sld [smem:$0x3FBA];
	_ =	sdelay $0x3  }
0x34: {  	[smem:$0x3FBA] =	sst s10  }
0x35: {  	s10 =	sld [smem:$0x3FB9];
	_ =	sdelay $0x3  }
0x36: {  	p1 =	seq.s32 s10, $0x1;
	s10 =	sld [smem:$0x3FBA];
	_ =	sdelay $0x3  }
0x37: {  	[smem:$0x3FBA] =	sst s10  }
0x38: {  	s10 =	sld [smem:$0x3FBB]  }
0x39: {  	_ = 	snop;
	(pc) =	sbr.ind lr, $3  }
0x3a: {  	_ = 	snop  }
0x3b: {  	_ = 	snop  }
0x3c: {  	p2 =	seq.s32 s10, $0x1;
	s10 =	sld [smem:$0x3FBA]  }
0x3d: {  	_ =	shalt  }
0x3e: {  	_ =	shalt  }
0x3f: {  	_ =	shalt  }
0x40: {  	_ =	shalt  }
0x41: {  	_ =	shalt  }
0x42: {  	_ =	shalt  }
0x43: {  	_ =	shalt  }
0x44: {  	_ =	shalt  }
0x45: {  	_ =	shalt  }
0x46: {  	_ =	shalt  }
0x47: {  	_ =	shalt  }
0x48: {  	_ =	shalt  }
0x49: {  	_ =	shalt  }
0x4a: {  	_ =	shalt  }
0x4b: {  	_ =	shalt  }
0x4c: {  	_ =	shalt  }
0x4d: {  	_ =	shalt  }
0x4e: {  	_ =	shalt  }
0x4f: {  	_ =	shalt  }
0x50: {  	_ =	shalt  }
0x51: {  	_ =	shalt  }
0x52: {  	_ =	shalt  }
0x53: {  	_ =	shalt  }
0x54: {  	_ =	shalt  }
0x55: {  	_ =	shalt  }
0x56: {  	_ =	shalt  }
0x57: {  	_ =	shalt  }
0x58: {  	_ =	shalt  }
0x59: {  	_ =	shalt  }
0x5a: {  	_ =	shalt  }
0x5b: {  	_ =	shalt  }
0x5c: {  	_ =	shalt  }
0x5d: {  	_ =	shalt  }
0x5e: {  	_ =	shalt  }
0x5f: {  	_ =	shalt  }
0x60: {  	_ =	shalt  }
0x61: {  	_ =	shalt  }
0x62: {  	_ =	shalt  }
0x63: {  	_ =	shalt  }
0x64: {  	_ =	shalt  }
0x65: {  	_ =	shalt  }
0x66: {  	_ =	shalt  }
0x67: {  	_ =	shalt  }
0x68: {  	_ =	shalt  }
0x69: {  	_ =	shalt  }
0x6a: {  	_ =	shalt  }
0x6b: {  	_ =	shalt  }
0x6c: {  	_ =	shalt  }
0x6d: {  	_ =	shalt  }
0x6e: {  	_ =	shalt  }
0x6f: {  	_ =	shalt  }
0x70: {  	_ =	shalt  }
0x71: {  	_ =	shalt  }
0x72: {  	_ =	shalt  }
0x73: {  	_ =	shalt  }
0x74: {  	_ =	shalt  }
0x75: {  	_ =	shalt  }
0x76: {  	_ =	shalt  }
0x77: {  	_ =	shalt  }
0x78: {  	_ =	shalt  }
0x79: {  	_ =	shalt  }
0x7a: {  	_ =	shalt  }
0x7b: {  	_ =	shalt  }
0x7c: {  	_ =	shalt  }
0x7d: {  	_ =	shalt  }
0x7e: {  	_ =	shalt  }
0x7f: {  	_ =	shalt  }
0x80: {  	_ =	shalt  }
0x81: {  	_ =	shalt  }
0x82: {  	_ =	shalt  }
0x83: {  	_ =	shalt  }
0x84: {  	_ =	shalt  }
0x85: {  	_ =	shalt  }
0x86: {  	_ =	shalt  }
0x87: {  	_ =	shalt  }
.Lfunc_end0:
.L_simem_size_0:
called_computation_lowered:
.L_overlay_start_0:
0x88: {  	s2 =	sld [smem:$0x3FD9]  }
0x89: {  	s3 =	sld [smem:$0x3FFE];
	_ =	sdelay $0x1  }
0x8a: {  	s1 =	srdreg.scid  }
0x8b: {  	s0 =	sand.u32 $0x1, s1  }
0x8c: {  	s17 =	sshll.u32 s0, $0xA;
	s2 =	sadd.s32 s3, s2  }
0x8d: {  	s2 =	sadd.s32 s2, s17  }
0x8e: {  	[smem:$0x3FC6] =	sst s2  }
0x8f: {  	_ = 	snop  }
0x90: {  	s2 =	sld [smem:$0x3FD0];
	(tm) =	ssettm $0x1  }
0x91: {  	s18 =	sld [smem:$0x3FFB];
	_ =	sdelay $0x3  }
0x92: {  	_ =	strace s18  }
0x93: {  	s3 =	sld [smem:$0x3FFC];
	_ =	sdelay $0x3  }
0x94: {  	_ =	strace s3  }
0x95: {  	s3 =	sld [smem:$0x3FFD];
	_ =	sdelay $0x3  }
0x96: {  	_ =	strace s3  }
0x97: {  	_ =	strace $0x8FFFFFFF  }
0x98: {  	s19 =	sld [smem:$0x3FDB];
	_ =	sdelay $0x1  }
0x99: {  	s4 =	simm.s32 $_scs_section_size  }
0x9a: {  	s5 =	simm.s32 $_size__tile_overlayer_lowered;
	s6 =	simm.s32 $_tile_overlayer_lowered  }
0x9b: {  	s22 =	simm.s32 $0x1BFF;
	s21 =	sshll.u32 s6, $0x1;
	s3 =	sadd.s32 s4, s19  }
0x9c: {  	s7 =	simm.s32 $0x0;
	s20 =	sshll.u32 s5, $0x1;
	s5 =	sadd.s32 s21, s3  }
0x9d: {  	[timem:s7], [sflag:s22] =	dma.local [hbm:s5], s20  }
0x9e: {  	_ =	swait.ge [sflag:s22], s20  }
0x9f: {  	s4 =	ssub.s32 $0x0, s20;
	[sflag:s22] =	ssyncset.done $0x0  }
0xa0: {  	[sflag:s22] =	ssyncadd.s32 s4;
	_ =	sdelay $0x1  }
0xa1: {  	s23 =	simm.s32 $0x1B8B  }
0xa2: {  	_ =	swait.ge [sflag:s23], $0x1  }
0xa3: {  	[sflag:s23] =	ssyncset.done $0x0  }
0xa4: {  	s25 =	simm.s32 $0x1B8E;
	s24 =	sld [smem:$0x3FFE];
	[sflag:s23] =	ssyncadd.s32 $0xFFFFFFFF  }
0xa5: {  	s26 =	simm.s32 $execute0_lowered;
	[smem:$0x3FD2] =	sst s25  }
0xa6: {  	s5 =	sshll.u32 s26, $0x1;
	_ =	strace $0x80000046;
	[dreg:$0x1] =	wrdreg $0xFFFFFFFF  }
0xa7: {  	s28 =	simm.s32 $_size_execute0_lowered;
	s3 =	sadd.s32 s3, s5;
	[dreg:$0x0] =	wrdreg $0x0  }
0xa8: {  	s5 =	sshll.u32 s28, $0x1;
	[dreg:$0x2] =	wrdreg s3  }
0xa9: {  	[dreg:$0x3] =	wrdreg s5  }
0xaa: {  	[dreg:$0x4] =	wrdreg $0xC0  }
0xab: {  	_ =	task [dreg:s7], $0x5FFFF  }
0xac: {  	[dreg:$0x1] =	wrdreg $0xFFFFFFFF  }
0xad: {  	[dreg:$0x0] =	wrdreg $0x60  }
0xae: {  	[dreg:$0x2] =	wrdreg s2  }
0xaf: {  	[dreg:$0x3] =	wrdreg s24  }
0xb0: {  	[dreg:$0x4] =	wrdreg $0x9  }
0xb1: {  	_ =	task.clear_ibuf [dreg:s7], $0x5FFFF;
	_ =	strace $0x90000046  }
0xb2: {  	s29 =	simm.s32 $0x9;
	_ =	strace $0x80000048  }
0xb3: {  	_ =	swait.ge [sflag:s29], $0x1  }
0xb4: {  	[sflag:s29] =	ssyncadd.s32 $0xFFFFFFFF  }
0xb5: {  	_ =	strace $0x90000048  }
0xb6: {  	_ =	sfence  }
0xb7: {  	s30 =	sld [smem:$0x0];
	_ =	sdelay $0x2  }
0xb8: {  	s31 =	sshll.u32 s1, $0xD;
	s1 =	sshrl.u32 s1, $0x2  }
0xb9: {  	s3 =	sand.u32 $0x4000, s31;
	s1 =	sadd.s32 s1, s30  }
0xba: {  	s0 =	sor.u32 s3, s0;
	s1 =	sshll.u32 s1, $0x11  }
0xbb: {  	s0 =	sor.u32 s1, s0  }
0xbc: {  	s0 =	sadd.s32 $0x8F2B, s0  }
0xbd: {  	[sflag:s0] =	ssyncadd.remote.s32 $0x1  }
0xbe: {  	_ =	sfence.sel $0xFFFF  }
0xbf: {  	[dreg:$0x0] =	wrdreg $0xFFFFFFFF;
	(pc) =	sbr.abs _section_cstart, $3  }
0xc0: {  	[dreg:$0x1] =	wrdreg $0xFFFFFFFF  }
0xc1: {  	_ =	task.clear_ibuf [dreg:s7], $0x2FFFF;
	_ =	strace $0x9FFFFFFF  }
0xc2: {  	(tm) =	ssettm $0x7FFFFFFF  }
0xc3: {  	_ =	shalt  }
tec
execute0_lowered:
.L_overlay_start_1:
0x0: {  	(tag) =	ssettag $0x1  }
0x1: {  	s10 =	rddreg [dreg:$0x0]  }
0x2: {  	s1 =	srdreg.scid;
	s0 =	stileid.u32  }
0x3: {  	s4 =	rddreg [dreg:$0x1];
	s2 =	simm.s32 $0x0;
	s14 =	simm.s32 $0x3  }
0x4: {  	s15 =	simm.s32 $0x2;
	s16 =	simm.s32 $0x4200;
	s17 =	simm.s32 $0x5  }
0x5: {  	s18 =	simm.s32 $0x4;
	s19 =	simm.s32 $0x0;
	s7 =	smul.u32 $0x320000, s0  }
0x6: {  	s5 =	sand.u32 $0x1, s1;
	s1 =	rddreg [dreg:$0x2];
	s13 =	smul.u32 $0xC800, s0  }
0x7: {  	s3 =	sshll.u32 s0, $0x1;
	[smem:$0x7FF] =	sst s2;
	s11 =	smul.u32 $0x190000, s5  }
0x8: {  	s8 =	sadd.s32 $0x7C0400, s4;
	s3 =	sor.u32 s5, s3;
	s24 =	smul.u32 $0x6400, s5  }
0x9: {  	_ =	strace $0x80000047;
	s9 =	ssub.s32 $0x2, s5;
	s6 =	smul.u32 $0x6400, s3  }
0xa: {  	s3 =	sadd.s32 $0x400, s4;
	s12 =	sshrl.u32 s9, $0x1;
	s23 =	sadd.s32 s11, s7  }
0xb: {  	s25 =	ssub.s32 s9, s12;
	s28 =	sadd.s32 s24, s13;
	s12 =	simm.s32 $0x1  }
0xc: {  	s13 =	simm.s32 $0x200;
	s22 =	sshrl.u32 s6, $0x3;
	s26 =	sshrl.u32 s23, $0x3  }
.Ltmp0:
0xd: {  	s6 =	smax.u32 s25, $0x1;
	s11 =	sshll.u32 s28, $0x3;
	(pc) =	sbr.rel .LBB2_1-.Ltmp0, $4  }
0xe: {  	s29 =	sor.u32 $0x300, s28;
	s9 =	sor.u32 $0x200, s28;
	s4 =	sadd.s32 s10, s22  }
0xf: {  	s7 =	sadd.s32 s26, s8;
	s8 =	sadd.s32 s11, s8;
	s30 =	sshrl.u32 s29, $0x3  }
0x10: {  	s31 =	sshrl.u32 s9, $0x3;
	s11 =	simm.s32 $0x100;
	s5 =	sadd.s32 $0x20, s4  }
0x11: {  	s8 =	sadd.s32 $0x800, s8;
	s9 =	sadd.s32 s30, s10;
	s10 =	sadd.s32 s31, s10  }
.LBB2_5:
0x12: {  	s19 =	sadd.s32 $0x1, s19  }
0x13: {  	p0 =	sne.s32 s19, s6  }
.Ltmp1:
0x14: {  	_ = 	snop;
	(pc) =	sbr.rel @!p0 .LBB2_6-.Ltmp1, $1  }
0x15: {  	_ =	sdelay $0x3  }
.LBB2_1:
0x16: {  	[tilespmem:s2], [sflag:$0x1] =	stream.linear.gather [hbm4b:s4+s2], $0x100, $0x38;
	[tilespmem:$0x8200] =	vst v63  }
0x17: {  	_ = 	snop  }
0x18: {  	[tilespmem:s11], [sflag:$0x2] =	stream.linear.gather [hbm4b:s5+s2], $0x100, $0x38;
	[tilespmem:$0x8200] =	vst v63  }
0x19: {  	_ =	swait.ge [sflag:s12], $0x100  }
0x1a: {  	[sflag:s12] =	ssyncset.done $0x0  }
0x1b: {  	[sflag:s12] =	ssyncadd.s32 $0xFFFFFF00  }
0x1c: {  	v0 =	vld [tilespmem:$0x0]  }
0x1d: {  	v1 =	vld [tilespmem:$0x10]  }
0x1e: {  	v3 =	vld [tilespmem:$0x20]  }
0x1f: {  	v5 =	vld [tilespmem:$0x30]  }
0x20: {  	v63 =	vld [tilespmem:$0x40]  }
0x21: {  	v7 =	vld [tilespmem:$0x50]  }
0x22: {  	v8 =	vld [tilespmem:$0x60]  }
0x23: {  	v18 =	vld [tilespmem:$0x70];
	v2 =	vshll.u32 v0, $0x1;
	v4 =	vand.u32 $0xFFFFC000, v0;
	v0 =	vshrl.u32 v0, $0xD  }
0x24: {  	v10 =	vld [tilespmem:$0x80];
	v62 =	vshll.u32 v1, $0x1;
	v6 =	vand.u32 $0xFFFFC000, v1;
	v1 =	vshrl.u32 v1, $0xD  }
0x25: {  	v11 =	vld [tilespmem:$0x90];
	v12 =	vshll.u32 v3, $0x1;
	v13 =	vand.u32 $0xFFFFC000, v3;
	v3 =	vshrl.u32 v3, $0xD  }
0x26: {  	v27 =	vld [tilespmem:$0xA0];
	v14 =	vshll.u32 v5, $0x1;
	v15 =	vand.u32 $0xFFFFC000, v5;
	v16 =	vshrl.u32 v5, $0xD  }
0x27: {  	v39 =	vld [tilespmem:$0xD0];
	v17 =	vshll.u32 v63, $0x1;
	v9 =	vand.u32 $0xFFFFC000, v63;
	v20 =	vshll.u32 v7, $0x1  }
0x28: {  	v45 =	vld [tilespmem:$0xE0];
	v21 =	vand.u32 $0xFFFFC000, v7;
	v7 =	vshrl.u32 v7, $0xD;
	v23 =	vshll.u32 v8, $0x1  }
0x29: {  	v49 =	vld [tilespmem:$0xF0];
	v24 =	vand.u32 $0xFFFFC000, v8;
	v25 =	vshrl.u32 v8, $0xD;
	v26 =	vshll.u32 v18, $0x1  }
0x2a: {  	v29 =	vshll.u32 v10, $0x1;
	v30 =	vand.u32 $0xFFFFC000, v10;
	v10 =	vshrl.u32 v10, $0xD  }
0x2b: {  	v32 =	vshll.u32 v11, $0x1;
	v33 =	vand.u32 $0xFFFFC000, v11;
	v34 =	vshrl.u32 v11, $0xD  }
0x2c: {  	v35 =	vshll.u32 v27, $0x1;
	v36 =	vand.u32 $0xFFFFC000, v27;
	v48 =	vshll.u32 v39, $0x1  }
0x2d: {  	v50 =	vand.u32 $0xFFFFC000, v39;
	v51 =	vshrl.u32 v39, $0xD;
	v55 =	vshll.u32 v45, $0x1  }
0x2e: {  	v56 =	vand.u32 $0xFFFFC000, v45;
	v57 =	vshrl.u32 v45, $0xD;
	v59 =	vshll.u32 v49, $0x1  }
0x2f: {  	v60 =	vand.u32 $0xFFFFC000, v49;
	v61 =	vshrl.u32 v49, $0xD;
	v2 =	vand.u32 $0x3FFE, v2  }
0x30: {  	v0 =	vand.u32 $0x1, v0;
	v1 =	vand.u32 $0x1, v1;
	v3 =	vand.u32 $0x1, v3  }
0x31: {  	v5 =	vand.u32 $0x3FFE, v17;
	v22 =	vand.u32 $0x1, v7;
	v7 =	vand.u32 $0x3FFE, v23  }
0x32: {  	v8 =	vand.u32 $0x3FFE, v26;
	v31 =	vand.u32 $0x1, v10;
	v10 =	vand.u32 $0x3FFE, v32  }
0x33: {  	v11 =	vand.u32 $0x3FFE, v35;
	v37 =	vand.u32 $0x1, v34;
	v52 =	vand.u32 $0x1, v51  }
0x34: {  	v2 =	vor.u32 v4, v2;
	v4 =	vand.u32 $0x3FFE, v62;
	v5 =	vor.u32 v9, v5  }
0x35: {  	v9 =	vshrl.u32 v18, $0xD;
	v4 =	vor.u32 v6, v4;
	v0 =	vor.u32 v0, v2  }
0x36: {  	v2 =	vand.u32 $0x3FFE, v12;
	v6 =	vshrl.u32 v63, $0xD;
	v12 =	vand.u32 $0xFFFFC000, v18  }
0x37: {  	v9 =	vand.u32 $0x1, v9;
	v1 =	vor.u32 v1, v4;
	v2 =	vor.u32 v13, v2  }
0x38: {  	v4 =	vand.u32 $0x3FFE, v14;
	v6 =	vand.u32 $0x1, v6;
	v8 =	vor.u32 v12, v8  }
0x39: {  	[tilespmem:$0x0] =	vst v0;
	v12 =	vshrl.u32 v27, $0xD;
	v0 =	vor.u32 v36, v11;
	v2 =	vor.u32 v3, v2  }
0x3a: {  	v3 =	vor.u32 v15, v4;
	v4 =	vand.u32 $0x1, v16;
	v19 =	vor.u32 v6, v5  }
0x3b: {  	v13 =	vld [tilespmem:$0xB0];
	v5 =	vand.u32 $0x3FFE, v20;
	v6 =	vor.u32 v24, v7;
	v7 =	vand.u32 $0x1, v25;
	[tilespmem:$0x10] =	vst v1  }
0x3c: {  	v14 =	vld [tilespmem:$0xC0];
	v28 =	vor.u32 v9, v8;
	v8 =	vand.u32 $0x3FFE, v29;
	v9 =	vor.u32 v33, v10;
	[tilespmem:$0x20] =	vst v2  }
0x3d: {  	v38 =	vand.u32 $0x1, v12;
	v3 =	vor.u32 v4, v3;
	v5 =	vor.u32 v21, v5;
	[tilespmem:$0x40] =	vst v19  }
0x3e: {  	v6 =	vor.u32 v7, v6;
	v8 =	vor.u32 v30, v8;
	v1 =	vor.u32 v37, v9;
	[tilespmem:$0x70] =	vst v28  }
0x3f: {  	v0 =	vor.u32 v38, v0;
	v5 =	vor.u32 v22, v5;
	v8 =	vor.u32 v31, v8;
	[tilespmem:$0x30] =	vst v3  }
0x40: {  	[tilespmem:$0x50] =	vst v5;
	v5 =	vand.u32 $0x3FFE, v48;
	v40 =	vshll.u32 v13, $0x1;
	v41 =	vand.u32 $0xFFFFC000, v13  }
0x41: {  	[tilespmem:$0x60] =	vst v6;
	v42 =	vshrl.u32 v13, $0xD;
	v44 =	vshll.u32 v14, $0x1;
	v46 =	vand.u32 $0xFFFFC000, v14  }
0x42: {  	[tilespmem:$0x90] =	vst v1;
	v47 =	vshrl.u32 v14, $0xD;
	v5 =	vor.u32 v50, v5;
	v2 =	vand.u32 $0x3FFE, v40  }
0x43: {  	[tilespmem:$0xA0] =	vst v0;
	v43 =	vand.u32 $0x1, v42;
	v4 =	vand.u32 $0x3FFE, v44;
	v54 =	vor.u32 v52, v5  }
0x44: {  	[tilespmem:$0x80] =	vst v8;
	v2 =	vor.u32 v41, v2;
	v3 =	vor.u32 v46, v4;
	v4 =	vand.u32 $0x1, v47  }
0x45: {  	[tilespmem:$0xD0] =	vst v54;
	v2 =	vor.u32 v43, v2;
	v53 =	vor.u32 v4, v3;
	v4 =	vand.u32 $0x3FFE, v55  }
.Ltmp2:
0x46: {  	v58 =	vand.u32 $0x1, v57;
	[tilespmem:$0xB0] =	vst v2;
	v0 =	vor.u32 v56, v4;
	v4 =	vand.u32 $0x3FFE, v59;
	(pc) =	sbr.rel .LBB2_2-.Ltmp2, $4  }
0x47: {  	v62 =	vand.u32 $0x1, v61;
	[tilespmem:$0xC0] =	vst v53;
	v0 =	vor.u32 v58, v0;
	v1 =	vor.u32 v60, v4  }
0x48: {  	[tilespmem:$0xE0] =	vst v0;
	v63 =	vor.u32 v62, v1  }
0x49: {  	s20 =	smov.u32 s10;
	s21 =	smov.u32 s9;
	s22 =	simm.s32 $0x0;
	[tilespmem:$0xF0] =	vst v63  }
0x4a: {  	[tilespmem:s13], [sflag:$0x3] =	stream.indirect.gather [hbm4b:s3+s11], $0x40, s2, s11, $0xb8;
	[tilespmem:$0x8200] =	vst v63  }
.LBB2_4:
0x4b: {  	s23 =	sadd.s32 s22, s8;
	s22 =	sadd.s32 $0x1000, s22  }
0x4c: {  	p0 =	sne.s32 s22, $0x32000  }
.Ltmp3:
0x4d: {  	_ = 	snop;
	(pc) =	sbr.rel @!p0 .LBB2_5-.Ltmp3, $4  }
0x4e: {  	[hbm4b:s23+s2] =	stream.linear.scatter [tilespmem:s16], [sflag:$0x5], $0x4000, $0x38;
	[tilespmem:$0x8200] =	vst v63  }
0x4f: {  	_ =	swait.ge [sflag:s17], $0x4000  }
0x50: {  	[sflag:s17] =	ssyncset.done $0x0  }
0x51: {  	s21 =	sadd.s32 $0x40, s21;
	s20 =	sadd.s32 $0x40, s20;
	[sflag:s17] =	ssyncadd.s32 $0xFFFFC000  }
.LBB2_2:
0x52: {  	_ =	swait.ge [sflag:s14], $0x4000  }
0x53: {  	p0 =	seq.s32 s22, $0x31000;
	[sflag:s14] =	ssyncset.done $0x0  }
0x54: {  	s23 =	simm.s32 @!p0 $0x0;
	[sflag:s14] =	ssyncadd.s32 $0xFFFFC000  }
0x55: {  	[tilespmem:s23], [sflag:$0x1] =	stream.linear.gather @!p0 [hbm4b:s20+s23], $0x100, $0x38;
	[tilespmem:$0x8200] =	vst v63  }
0x56: {  	_ =	swait.ge [sflag:s15], $0x100  }
0x57: {  	[sflag:s15] =	ssyncset.done $0x0  }
0x58: {  	[sflag:s15] =	ssyncadd.s32 $0xFFFFFF00  }
0x59: {  	v0 =	vld [tilespmem:$0x100]  }
0x5a: {  	v1 =	vld [tilespmem:$0x110]  }
0x5b: {  	v3 =	vld [tilespmem:$0x120]  }
0x5c: {  	v5 =	vld [tilespmem:$0x130]  }
0x5d: {  	v63 =	vld [tilespmem:$0x140]  }
0x5e: {  	v7 =	vld [tilespmem:$0x150]  }
0x5f: {  	v8 =	vld [tilespmem:$0x160]  }
0x60: {  	v18 =	vld [tilespmem:$0x170];
	v2 =	vshll.u32 v0, $0x1;
	v4 =	vand.u32 $0xFFFFC000, v0;
	v0 =	vshrl.u32 v0, $0xD  }
0x61: {  	v10 =	vld [tilespmem:$0x180];
	v62 =	vshll.u32 v1, $0x1;
	v6 =	vand.u32 $0xFFFFC000, v1;
	v1 =	vshrl.u32 v1, $0xD  }
0x62: {  	v11 =	vld [tilespmem:$0x190];
	v12 =	vshll.u32 v3, $0x1;
	v13 =	vand.u32 $0xFFFFC000, v3;
	v3 =	vshrl.u32 v3, $0xD  }
0x63: {  	v27 =	vld [tilespmem:$0x1A0];
	v14 =	vshll.u32 v5, $0x1;
	v15 =	vand.u32 $0xFFFFC000, v5;
	v16 =	vshrl.u32 v5, $0xD  }
0x64: {  	v39 =	vld [tilespmem:$0x1D0];
	v17 =	vshll.u32 v63, $0x1;
	v9 =	vand.u32 $0xFFFFC000, v63;
	v20 =	vshll.u32 v7, $0x1  }
0x65: {  	v45 =	vld [tilespmem:$0x1E0];
	v21 =	vand.u32 $0xFFFFC000, v7;
	v7 =	vshrl.u32 v7, $0xD;
	v23 =	vshll.u32 v8, $0x1  }
0x66: {  	v49 =	vld [tilespmem:$0x1F0];
	v24 =	vand.u32 $0xFFFFC000, v8;
	v25 =	vshrl.u32 v8, $0xD;
	v26 =	vshll.u32 v18, $0x1  }
0x67: {  	v29 =	vshll.u32 v10, $0x1;
	v30 =	vand.u32 $0xFFFFC000, v10;
	v10 =	vshrl.u32 v10, $0xD  }
0x68: {  	v32 =	vshll.u32 v11, $0x1;
	v33 =	vand.u32 $0xFFFFC000, v11;
	v34 =	vshrl.u32 v11, $0xD  }
0x69: {  	v35 =	vshll.u32 v27, $0x1;
	v36 =	vand.u32 $0xFFFFC000, v27;
	v48 =	vshll.u32 v39, $0x1  }
0x6a: {  	v50 =	vand.u32 $0xFFFFC000, v39;
	v51 =	vshrl.u32 v39, $0xD;
	v55 =	vshll.u32 v45, $0x1  }
0x6b: {  	v56 =	vand.u32 $0xFFFFC000, v45;
	v57 =	vshrl.u32 v45, $0xD;
	v59 =	vshll.u32 v49, $0x1  }
0x6c: {  	v60 =	vand.u32 $0xFFFFC000, v49;
	v61 =	vshrl.u32 v49, $0xD;
	v2 =	vand.u32 $0x3FFE, v2  }
0x6d: {  	v0 =	vand.u32 $0x1, v0;
	v1 =	vand.u32 $0x1, v1;
	v3 =	vand.u32 $0x1, v3  }
0x6e: {  	v5 =	vand.u32 $0x3FFE, v17;
	v22 =	vand.u32 $0x1, v7;
	v7 =	vand.u32 $0x3FFE, v23  }
0x6f: {  	v8 =	vand.u32 $0x3FFE, v26;
	v31 =	vand.u32 $0x1, v10;
	v10 =	vand.u32 $0x3FFE, v32  }
0x70: {  	v11 =	vand.u32 $0x3FFE, v35;
	v37 =	vand.u32 $0x1, v34;
	v52 =	vand.u32 $0x1, v51  }
0x71: {  	v2 =	vor.u32 v4, v2;
	v4 =	vand.u32 $0x3FFE, v62;
	v5 =	vor.u32 v9, v5  }
0x72: {  	v9 =	vshrl.u32 v18, $0xD;
	v4 =	vor.u32 v6, v4;
	v0 =	vor.u32 v0, v2  }
0x73: {  	v2 =	vand.u32 $0x3FFE, v12;
	v6 =	vshrl.u32 v63, $0xD;
	v12 =	vand.u32 $0xFFFFC000, v18  }
0x74: {  	v9 =	vand.u32 $0x1, v9;
	v1 =	vor.u32 v1, v4;
	v2 =	vor.u32 v13, v2  }
0x75: {  	v4 =	vand.u32 $0x3FFE, v14;
	v6 =	vand.u32 $0x1, v6;
	v8 =	vor.u32 v12, v8  }
0x76: {  	[tilespmem:$0x100] =	vst v0;
	v12 =	vshrl.u32 v27, $0xD;
	v0 =	vor.u32 v36, v11;
	v2 =	vor.u32 v3, v2  }
0x77: {  	v3 =	vor.u32 v15, v4;
	v4 =	vand.u32 $0x1, v16;
	v19 =	vor.u32 v6, v5  }
0x78: {  	v13 =	vld [tilespmem:$0x1B0];
	v5 =	vand.u32 $0x3FFE, v20;
	v6 =	vor.u32 v24, v7;
	v7 =	vand.u32 $0x1, v25;
	[tilespmem:$0x110] =	vst v1  }
0x79: {  	v14 =	vld [tilespmem:$0x1C0];
	v28 =	vor.u32 v9, v8;
	v8 =	vand.u32 $0x3FFE, v29;
	v9 =	vor.u32 v33, v10;
	[tilespmem:$0x120] =	vst v2  }
0x7a: {  	v38 =	vand.u32 $0x1, v12;
	v3 =	vor.u32 v4, v3;
	v5 =	vor.u32 v21, v5;
	[tilespmem:$0x140] =	vst v19  }
0x7b: {  	v6 =	vor.u32 v7, v6;
	v8 =	vor.u32 v30, v8;
	v1 =	vor.u32 v37, v9;
	[tilespmem:$0x170] =	vst v28  }
0x7c: {  	v0 =	vor.u32 v38, v0;
	v5 =	vor.u32 v22, v5;
	v8 =	vor.u32 v31, v8;
	[tilespmem:$0x130] =	vst v3  }
0x7d: {  	[tilespmem:$0x150] =	vst v5;
	v5 =	vand.u32 $0x3FFE, v48;
	v40 =	vshll.u32 v13, $0x1;
	v41 =	vand.u32 $0xFFFFC000, v13  }
0x7e: {  	[tilespmem:$0x160] =	vst v6;
	v42 =	vshrl.u32 v13, $0xD;
	v44 =	vshll.u32 v14, $0x1;
	v46 =	vand.u32 $0xFFFFC000, v14  }
0x7f: {  	[tilespmem:$0x190] =	vst v1;
	v47 =	vshrl.u32 v14, $0xD;
	v5 =	vor.u32 v50, v5;
	v2 =	vand.u32 $0x3FFE, v40  }
0x80: {  	[tilespmem:$0x1A0] =	vst v0;
	v43 =	vand.u32 $0x1, v42;
	v4 =	vand.u32 $0x3FFE, v44;
	v54 =	vor.u32 v52, v5  }
0x81: {  	[tilespmem:$0x180] =	vst v8;
	v2 =	vor.u32 v41, v2;
	v3 =	vor.u32 v46, v4;
	v4 =	vand.u32 $0x1, v47  }
0x82: {  	[tilespmem:$0x1D0] =	vst v54;
	v2 =	vor.u32 v43, v2;
	v53 =	vor.u32 v4, v3;
	v4 =	vand.u32 $0x3FFE, v55  }
0x83: {  	v58 =	vand.u32 $0x1, v57;
	[tilespmem:$0x1B0] =	vst v2;
	v0 =	vor.u32 v56, v4;
	v4 =	vand.u32 $0x3FFE, v59  }
0x84: {  	v62 =	vand.u32 $0x1, v61;
	[tilespmem:$0x1C0] =	vst v53;
	v0 =	vor.u32 v58, v0;
	v1 =	vor.u32 v60, v4  }
0x85: {  	[tilespmem:$0x1E0] =	vst v0;
	v63 =	vor.u32 v62, v1  }
0x86: {  	[tilespmem:$0x1F0] =	vst v63  }
0x87: {  	[tilespmem:s16], [sflag:$0x4] =	stream.indirect.gather [hbm4b:s3+s11], $0x40, s11, s11, $0xb8;
	[tilespmem:$0x8200] =	vst v63  }
0x88: {  	s31 =	sadd.s32 s22, s7  }
0x89: {  	[hbm4b:s31+s2] =	stream.linear.scatter [tilespmem:s13], [sflag:$0x5], $0x4000, $0x38;
	[tilespmem:$0x8200] =	vst v63  }
0x8a: {  	_ =	swait.ge [sflag:s17], $0x4000  }
.Ltmp4:
0x8b: {  	[sflag:s17] =	ssyncset.done $0x0;
	(pc) =	sbr.rel @p0 .LBB2_4-.Ltmp4, $4  }
0x8c: {  	[sflag:s17] =	ssyncadd.s32 $0xFFFFC000  }
0x8d: {  	_ =	swait.ge [sflag:s18], $0x4000  }
0x8e: {  	[sflag:s18] =	ssyncset.done $0x0  }
0x8f: {  	[sflag:s18] =	ssyncadd.s32 $0xFFFFC000  }
0x90: {  	[tilespmem:s11], [sflag:$0x2] =	stream.linear.gather [hbm4b:s21+s2], $0x100, $0x38;
	[tilespmem:$0x8200] =	vst v63  }
0x91: {  	_ =	swait.ge [sflag:s12], $0x100  }
0x92: {  	[sflag:s12] =	ssyncset.done $0x0  }
0x93: {  	[sflag:s12] =	ssyncadd.s32 $0xFFFFFF00  }
0x94: {  	v0 =	vld [tilespmem:$0x0]  }
0x95: {  	v1 =	vld [tilespmem:$0x10]  }
0x96: {  	v3 =	vld [tilespmem:$0x20]  }
0x97: {  	v5 =	vld [tilespmem:$0x30]  }
0x98: {  	v63 =	vld [tilespmem:$0x40]  }
0x99: {  	v7 =	vld [tilespmem:$0x50]  }
0x9a: {  	v8 =	vld [tilespmem:$0x60]  }
0x9b: {  	v18 =	vld [tilespmem:$0x70];
	v2 =	vshll.u32 v0, $0x1;
	v4 =	vand.u32 $0xFFFFC000, v0;
	v0 =	vshrl.u32 v0, $0xD  }
0x9c: {  	v10 =	vld [tilespmem:$0x80];
	v62 =	vshll.u32 v1, $0x1;
	v6 =	vand.u32 $0xFFFFC000, v1;
	v1 =	vshrl.u32 v1, $0xD  }
0x9d: {  	v11 =	vld [tilespmem:$0x90];
	v12 =	vshll.u32 v3, $0x1;
	v13 =	vand.u32 $0xFFFFC000, v3;
	v3 =	vshrl.u32 v3, $0xD  }
0x9e: {  	v27 =	vld [tilespmem:$0xA0];
	v14 =	vshll.u32 v5, $0x1;
	v15 =	vand.u32 $0xFFFFC000, v5;
	v16 =	vshrl.u32 v5, $0xD  }
0x9f: {  	v39 =	vld [tilespmem:$0xD0];
	v17 =	vshll.u32 v63, $0x1;
	v9 =	vand.u32 $0xFFFFC000, v63;
	v20 =	vshll.u32 v7, $0x1  }
0xa0: {  	v45 =	vld [tilespmem:$0xE0];
	v21 =	vand.u32 $0xFFFFC000, v7;
	v7 =	vshrl.u32 v7, $0xD;
	v23 =	vshll.u32 v8, $0x1  }
0xa1: {  	v49 =	vld [tilespmem:$0xF0];
	v24 =	vand.u32 $0xFFFFC000, v8;
	v25 =	vshrl.u32 v8, $0xD;
	v26 =	vshll.u32 v18, $0x1  }
0xa2: {  	v29 =	vshll.u32 v10, $0x1;
	v30 =	vand.u32 $0xFFFFC000, v10;
	v10 =	vshrl.u32 v10, $0xD  }
0xa3: {  	v32 =	vshll.u32 v11, $0x1;
	v33 =	vand.u32 $0xFFFFC000, v11;
	v34 =	vshrl.u32 v11, $0xD  }
0xa4: {  	v35 =	vshll.u32 v27, $0x1;
	v36 =	vand.u32 $0xFFFFC000, v27;
	v48 =	vshll.u32 v39, $0x1  }
0xa5: {  	v50 =	vand.u32 $0xFFFFC000, v39;
	v51 =	vshrl.u32 v39, $0xD;
	v55 =	vshll.u32 v45, $0x1  }
0xa6: {  	v56 =	vand.u32 $0xFFFFC000, v45;
	v57 =	vshrl.u32 v45, $0xD;
	v59 =	vshll.u32 v49, $0x1  }
0xa7: {  	v60 =	vand.u32 $0xFFFFC000, v49;
	v61 =	vshrl.u32 v49, $0xD;
	v2 =	vand.u32 $0x3FFE, v2  }
0xa8: {  	v0 =	vand.u32 $0x1, v0;
	v1 =	vand.u32 $0x1, v1;
	v3 =	vand.u32 $0x1, v3  }
0xa9: {  	v5 =	vand.u32 $0x3FFE, v17;
	v22 =	vand.u32 $0x1, v7;
	v7 =	vand.u32 $0x3FFE, v23  }
0xaa: {  	v8 =	vand.u32 $0x3FFE, v26;
	v31 =	vand.u32 $0x1, v10;
	v10 =	vand.u32 $0x3FFE, v32  }
0xab: {  	v11 =	vand.u32 $0x3FFE, v35;
	v37 =	vand.u32 $0x1, v34;
	v52 =	vand.u32 $0x1, v51  }
0xac: {  	v2 =	vor.u32 v4, v2;
	v4 =	vand.u32 $0x3FFE, v62;
	v5 =	vor.u32 v9, v5  }
0xad: {  	v9 =	vshrl.u32 v18, $0xD;
	v4 =	vor.u32 v6, v4;
	v0 =	vor.u32 v0, v2  }
0xae: {  	v2 =	vand.u32 $0x3FFE, v12;
	v6 =	vshrl.u32 v63, $0xD;
	v12 =	vand.u32 $0xFFFFC000, v18  }
0xaf: {  	v9 =	vand.u32 $0x1, v9;
	v1 =	vor.u32 v1, v4;
	v2 =	vor.u32 v13, v2  }
0xb0: {  	v4 =	vand.u32 $0x3FFE, v14;
	v6 =	vand.u32 $0x1, v6;
	v8 =	vor.u32 v12, v8  }
0xb1: {  	[tilespmem:$0x0] =	vst v0;
	v12 =	vshrl.u32 v27, $0xD;
	v0 =	vor.u32 v36, v11;
	v2 =	vor.u32 v3, v2  }
0xb2: {  	v3 =	vor.u32 v15, v4;
	v4 =	vand.u32 $0x1, v16;
	v19 =	vor.u32 v6, v5  }
0xb3: {  	v13 =	vld [tilespmem:$0xB0];
	v5 =	vand.u32 $0x3FFE, v20;
	v6 =	vor.u32 v24, v7;
	v7 =	vand.u32 $0x1, v25;
	[tilespmem:$0x10] =	vst v1  }
0xb4: {  	v14 =	vld [tilespmem:$0xC0];
	v28 =	vor.u32 v9, v8;
	v8 =	vand.u32 $0x3FFE, v29;
	v9 =	vor.u32 v33, v10;
	[tilespmem:$0x20] =	vst v2  }
0xb5: {  	v38 =	vand.u32 $0x1, v12;
	v3 =	vor.u32 v4, v3;
	v5 =	vor.u32 v21, v5;
	[tilespmem:$0x40] =	vst v19  }
0xb6: {  	v6 =	vor.u32 v7, v6;
	v8 =	vor.u32 v30, v8;
	v1 =	vor.u32 v37, v9;
	[tilespmem:$0x70] =	vst v28  }
0xb7: {  	v0 =	vor.u32 v38, v0;
	v5 =	vor.u32 v22, v5;
	v8 =	vor.u32 v31, v8;
	[tilespmem:$0x30] =	vst v3  }
0xb8: {  	[tilespmem:$0x50] =	vst v5;
	v5 =	vand.u32 $0x3FFE, v48;
	v40 =	vshll.u32 v13, $0x1;
	v41 =	vand.u32 $0xFFFFC000, v13  }
0xb9: {  	[tilespmem:$0x60] =	vst v6;
	v42 =	vshrl.u32 v13, $0xD;
	v44 =	vshll.u32 v14, $0x1;
	v46 =	vand.u32 $0xFFFFC000, v14  }
0xba: {  	[tilespmem:$0x90] =	vst v1;
	v47 =	vshrl.u32 v14, $0xD;
	v5 =	vor.u32 v50, v5;
	v2 =	vand.u32 $0x3FFE, v40  }
0xbb: {  	[tilespmem:$0xA0] =	vst v0;
	v43 =	vand.u32 $0x1, v42;
	v4 =	vand.u32 $0x3FFE, v44;
	v54 =	vor.u32 v52, v5  }
0xbc: {  	[tilespmem:$0x80] =	vst v8;
	v2 =	vor.u32 v41, v2;
	v3 =	vor.u32 v46, v4;
	v4 =	vand.u32 $0x1, v47  }
0xbd: {  	[tilespmem:$0xD0] =	vst v54;
	v2 =	vor.u32 v43, v2;
	v53 =	vor.u32 v4, v3;
	v4 =	vand.u32 $0x3FFE, v55  }
.Ltmp5:
0xbe: {  	v58 =	vand.u32 $0x1, v57;
	[tilespmem:$0xB0] =	vst v2;
	v0 =	vor.u32 v56, v4;
	v4 =	vand.u32 $0x3FFE, v59;
	(pc) =	sbr.rel .LBB2_4-.Ltmp5, $4  }
0xbf: {  	v62 =	vand.u32 $0x1, v61;
	[tilespmem:$0xC0] =	vst v53;
	v0 =	vor.u32 v58, v0;
	v1 =	vor.u32 v60, v4  }
0xc0: {  	[tilespmem:$0xE0] =	vst v0;
	v63 =	vor.u32 v62, v1  }
0xc1: {  	[tilespmem:$0xF0] =	vst v63  }
0xc2: {  	[tilespmem:s13], [sflag:$0x3] =	stream.indirect.gather [hbm4b:s3+s11], $0x40, s2, s11, $0xb8;
	[tilespmem:$0x8200] =	vst v63  }
.LBB2_6:
0xc3: {  	_ =	sfence.sel $0x180000  }
0xc4: {  	[bflag:$0x0] =	sbarrier.arrive $0xFFFF  }
0xc5: {  	p0 =	sne.s32 s0, $0x0;
	_ =	strace $0x90000047  }
0xc6: {  	s0 =	sadd.s32 @!p0 $0x100000, s1;
	[bflag:$0x2] =	sbarrier.arrive $0xFFFF  }
0xc7: {  	[sflag:s0] =	ssyncadd.tile.s32 @!p0 $0x1;
	_ =	shalt  }
.Lfunc_end2:
_tile_overlayer_lowered:
.L_overlay_start_2:
0xc8: {  	(tag) =	ssettag $0x2  }
0xc9: {  	s0 =	rddreg [dreg:$0x0];
	s2 =	stileid.u32  }
0xca: {  	s1 =	rddreg [dreg:$0x1];
	p0 =	sne.s32 s2, $0x0  }
0xcb: {  	s3 =	rddreg [dreg:$0x2];
	[bflag:$0x3] =	sbarrier.arrive $0xFFFF;
	s2 =	simm.s32 @!p0 $0x1C05  }
0xcc: {  	[timem:s3], [sflag:s2] =	dma.local @!p0 [hbm:s0], s1  }
0xcd: {  	s0 =	simm.s32 @!p0 $0x5  }
0xce: {  	_ =	swait.ge @!p0 [sflag:s0], s1  }
0xcf: {  	s1 =	ssub.s32 @!p0 $0x0, s1;
	[sflag:s0] =	ssyncset.done @!p0 $0x0  }
0xd0: {  	[sflag:s0] =	ssyncadd.s32 @!p0 s1  }
0xd1: {  	[bflag:$0x3] =	sbarrier.arrive $0xFFFF  }
0xd2: {  	_ =	shalt  }

</sc_bundles>
